<compile_context>
chip_gen: v7x
topology: tpu7x:2x2x1
jax: 0.10.2.dev20260603
libtpu: 0.0.44.dev20260713+nightly
codegen_flags: <defaults>
</compile_context>

<pallas_src>
import functools

import jax
import jax.numpy as jnp
from jax.experimental import pallas as pl
from jax.experimental.pallas import tpu as pltpu
from jax.experimental.pallas import tpu_sc as plsc

_PAIRS = [(2, 15), (1, 204), (2, 8812), (1, 7), (2, 15), (1, 56013),
          (2, 77105), (1, 204), (2, 3), (1, 99998), (2, 45000), (1, 12345),
          (2, 8812), (1, 7), (2, 67890), (1, 23456), (2, 15), (1, 88001),
          (2, 500), (1, 204), (2, 77105), (1, 4096), (2, 31415), (1, 27182),
          (2, 3), (1, 56013), (2, 99999), (1, 1), (2, 500), (1, 12345),
          (2, 8812), (1, 65536), (2, 42), (1, 7), (2, 31415), (1, 99998),
          (2, 15), (1, 204), (2, 45000), (1, 88001)]

_M = len(_PAIRS)

_MESH = plsc.ScalarSubcoreMesh(axis_name="c", num_cores=1)


@functools.partial(
    pl.kernel,
    mesh=_MESH,
    out_type=jax.ShapeDtypeStruct((_M, 4, 128), jnp.float32),
    scratch_types=[
        pltpu.SemaphoreType.DMA,
    ],
)
def _gather_sc(t1_hbm, t2_hbm, out_hbm, sem):
    tables = {1: t1_hbm, 2: t2_hbm}
    copies = [pltpu.async_copy(tables[l].at[o], out_hbm.at[i], sem)
              for i, (l, o) in enumerate(_PAIRS)]
    for c in copies:
        c.wait()


def kernel(layer_1, layer_2):
    return _gather_sc(layer_1, layer_2)

# --- scband reference (transcript-rebuilt; emitter-appended) ---
"""Pipeline reference for scband-multi-layer-gather-78572131713370 (READ-ONLY COPY).

The authoritative reference and input builder live on the scoring server;
editing this copy changes nothing except your own understanding.
"""

import jax, jax.numpy as jnp
import numpy as np

PAIRS = [(2,15),(1,204),(2,8812),(1,7),(2,15),(1,56013),(2,77105),(1,204),(2,3),(1,99998),(2,45000),(1,12345),(2,8812),(1,7),(2,67890),(1,23456),(2,15),(1,88001),(2,500),(1,204),(2,77105),(1,4096),(2,31415),(1,27182),(2,3),(1,56013),(2,99999),(1,1),(2,500),(1,12345),(2,8812),(1,65536),(2,42),(1,7),(2,31415),(1,99998),(2,15),(1,204),(2,45000),(1,88001)]


def _gather_module(ordinals):
    # mirrors build_optimal_single_layer_gather_module
    if all(ordinals[0] == o for o in ordinals[1:]):
        ordv = ordinals[0]
        return lambda t: t[ordv][None, ...]  # TakeValue
    if all(b - a == 1 for a, b in zip(ordinals[:-1], ordinals[1:])):
        s, e = ordinals[0], ordinals[-1] + 1
        return lambda t: t[s:e]  # TakeLayerSlice
    idx = jnp.asarray(ordinals, dtype=jnp.int32)
    return lambda t: jnp.take(t, idx, axis=0)  # SingleLayerGather (index_select)


def multi_layer_gather(layer_values, pairs):
    layers = sorted(set(l for l, _ in pairs), reverse=True)
    per_layer = {l: sorted(set(o for ll, o in pairs if ll == l)) for l in layers}
    gathers = {l: _gather_module(per_layer[l]) for l in layers}
    outs = [gathers[l](layer_values[l]) for l in layers]
    d1 = max(v.shape[1] for v in outs)
    d2 = max(v.shape[2] for v in outs)
    outs = [jnp.broadcast_to(v, (v.shape[0], d1, d2)) for v in outs]
    cat = jnp.concatenate(outs, axis=0)
    sizes = [len(per_layer[l]) for l in layers]
    prefixes = np.concatenate([[0], np.cumsum(sizes)[:-1]])
    lmap = {l: i for i, l in enumerate(layers)}
    omap = {l: {o: i for i, o in enumerate(per_layer[l])} for l in layers}
    cord = [int(prefixes[lmap[l]]) + omap[l][o] for l, o in pairs]
    return _gather_module(cord)(cat)


def setup_inputs(seed: int = 0) -> dict:
    key = jax.random.key(seed)
    k1, k2 = jax.random.split(key)
    layer_1 = jax.random.normal(k1, (100000, 4, 128), dtype=jnp.float32)
    layer_2 = jax.random.normal(k2, (100000, 4, 128), dtype=jnp.float32)
    return {"layer_1": layer_1, "layer_2": layer_2}


def reference(layer_1, layer_2):
    layer_values = {1: layer_1, 2: layer_2}
    return multi_layer_gather(layer_values, PAIRS)

if __name__ == "__main__":
    import jax
    _d = setup_inputs()
    print(jax.jit(kernel)(*tuple(_d.values())))

</pallas_src>

<mosaic_0001>
#map = affine_map<(d0) -> (0, 0, 0)>
module attributes {stable_mosaic.version = 14 : i64} {
  func.func @_gather_sc(%arg0: i32, %arg1: memref<100000x4x128xf32, #tpu.memory_space<hbm>>, %arg2: memref<100000x4x128xf32, #tpu.memory_space<hbm>>, %arg3: memref<40x4x128xf32, #tpu.memory_space<hbm>>, %arg4: memref<!tpu.dma_semaphore, #tpu.memory_space<semaphore_mem>>) attributes {dimension_semantics = [#tpu.dimension_semantics<core_parallel>], iteration_bounds = array<i64: 1>, scalar_prefetch = 0 : i64, scratch_operands = 1 : i64, tpu.core_type = #tpu.core_type<sc_scalar_subcore>, window_params = [{transform_indices = #map}, {transform_indices = #map}, {transform_indices = #map}]} {
    %dma_start3A = arith.constant 15 : i32
    %dma_start3A_0 = arith.constant 0 : i32
    %dma_start3A_1 = arith.constant 0 : i32
    %dma_start3A_2 = arith.constant 0 : i32
    %dma_start3A_3 = tpu.memref_slice %arg3[%dma_start3A_0, %dma_start3A_1, %dma_start3A_2] : memref<40x4x128xf32, #tpu.memory_space<hbm>> -> memref<1x4x128xf32, #tpu.memory_space<hbm>>
    %dma_start3A_4 = tpu.memref_squeeze %dma_start3A_3 : memref<1x4x128xf32, #tpu.memory_space<hbm>> -> memref<4x128xf32, #tpu.memory_space<hbm>>
    %dma_start3A_5 = arith.constant 0 : i32
    %dma_start3A_6 = arith.constant 0 : i32
    %dma_start3A_7 = tpu.memref_slice %arg2[%dma_start3A, %dma_start3A_5, %dma_start3A_6] : memref<100000x4x128xf32, #tpu.memory_space<hbm>> -> memref<1x4x128xf32, #tpu.memory_space<hbm>>
    %dma_start3A_8 = tpu.memref_squeeze %dma_start3A_7 : memref<1x4x128xf32, #tpu.memory_space<hbm>> -> memref<4x128xf32, #tpu.memory_space<hbm>>
    tpu.enqueue_dma source(%dma_start3A_8 : memref<4x128xf32, #tpu.memory_space<hbm>>) target(%dma_start3A_4 : memref<4x128xf32, #tpu.memory_space<hbm>>) target_semaphore(%arg4 : memref<!tpu.dma_semaphore, #tpu.memory_space<semaphore_mem>>)
    %dma_start3A_9 = arith.constant 204 : i32
    %dma_start3A_10 = arith.constant 1 : i32
    %dma_start3A_11 = arith.constant 0 : i32
    %dma_start3A_12 = arith.constant 0 : i32
    %dma_start3A_13 = tpu.memref_slice %arg3[%dma_start3A_10, %dma_start3A_11, %dma_start3A_12] : memref<40x4x128xf32, #tpu.memory_space<hbm>> -> memref<1x4x128xf32, #tpu.memory_space<hbm>>
    %dma_start3A_14 = tpu.memref_squeeze %dma_start3A_13 : memref<1x4x128xf32, #tpu.memory_space<hbm>> -> memref<4x128xf32, #tpu.memory_space<hbm>>
    %dma_start3A_15 = arith.constant 0 : i32
    %dma_start3A_16 = arith.constant 0 : i32
    %dma_start3A_17 = tpu.memref_slice %arg1[%dma_start3A_9, %dma_start3A_15, %dma_start3A_16] : memref<100000x4x128xf32, #tpu.memory_space<hbm>> -> memref<1x4x128xf32, #tpu.memory_space<hbm>>
    %dma_start3A_18 = tpu.memref_squeeze %dma_start3A_17 : memref<1x4x128xf32, #tpu.memory_space<hbm>> -> memref<4x128xf32, #tpu.memory_space<hbm>>
    tpu.enqueue_dma source(%dma_start3A_18 : memref<4x128xf32, #tpu.memory_space<hbm>>) target(%dma_start3A_14 : memref<4x128xf32, #tpu.memory_space<hbm>>) target_semaphore(%arg4 : memref<!tpu.dma_semaphore, #tpu.memory_space<semaphore_mem>>)
    %dma_start3A_19 = arith.constant 8812 : i32
    %dma_start3A_20 = arith.constant 2 : i32
    %dma_start3A_21 = arith.constant 0 : i32
    %dma_start3A_22 = arith.constant 0 : i32
    %dma_start3A_23 = tpu.memref_slice %arg3[%dma_start3A_20, %dma_start3A_21, %dma_start3A_22] : memref<40x4x128xf32, #tpu.memory_space<hbm>> -> memref<1x4x128xf32, #tpu.memory_space<hbm>>
    %dma_start3A_24 = tpu.memref_squeeze %dma_start3A_23 : memref<1x4x128xf32, #tpu.memory_space<hbm>> -> memref<4x128xf32, #tpu.memory_space<hbm>>
    %dma_start3A_25 = arith.constant 0 : i32
    %dma_start3A_26 = arith.constant 0 : i32
    %dma_start3A_27 = tpu.memref_slice %arg2[%dma_start3A_19, %dma_start3A_25, %dma_start3A_26] : memref<100000x4x128xf32, #tpu.memory_space<hbm>> -> memref<1x4x128xf32, #tpu.memory_space<hbm>>
    %dma_start3A_28 = tpu.memref_squeeze %dma_start3A_27 : memref<1x4x128xf32, #tpu.memory_space<hbm>> -> memref<4x128xf32, #tpu.memory_space<hbm>>
    tpu.enqueue_dma source(%dma_start3A_28 : memref<4x128xf32, #tpu.memory_space<hbm>>) target(%dma_start3A_24 : memref<4x128xf32, #tpu.memory_space<hbm>>) target_semaphore(%arg4 : memref<!tpu.dma_semaphore, #tpu.memory_space<semaphore_mem>>)
    %dma_start3A_29 = arith.constant 7 : i32
    %dma_start3A_30 = arith.constant 3 : i32
    %dma_start3A_31 = arith.constant 0 : i32
    %dma_start3A_32 = arith.constant 0 : i32
    %dma_start3A_33 = tpu.memref_slice %arg3[%dma_start3A_30, %dma_start3A_31, %dma_start3A_32] : memref<40x4x128xf32, #tpu.memory_space<hbm>> -> memref<1x4x128xf32, #tpu.memory_space<hbm>>
    %dma_start3A_34 = tpu.memref_squeeze %dma_start3A_33 : memref<1x4x128xf32, #tpu.memory_space<hbm>> -> memref<4x128xf32, #tpu.memory_space<hbm>>
    %dma_start3A_35 = arith.constant 0 : i32
    %dma_start3A_36 = arith.constant 0 : i32
    %dma_start3A_37 = tpu.memref_slice %arg1[%dma_start3A_29, %dma_start3A_35, %dma_start3A_36] : memref<100000x4x128xf32, #tpu.memory_space<hbm>> -> memref<1x4x128xf32, #tpu.memory_space<hbm>>
    %dma_start3A_38 = tpu.memref_squeeze %dma_start3A_37 : memref<1x4x128xf32, #tpu.memory_space<hbm>> -> memref<4x128xf32, #tpu.memory_space<hbm>>
    tpu.enqueue_dma source(%dma_start3A_38 : memref<4x128xf32, #tpu.memory_space<hbm>>) target(%dma_start3A_34 : memref<4x128xf32, #tpu.memory_space<hbm>>) target_semaphore(%arg4 : memref<!tpu.dma_semaphore, #tpu.memory_space<semaphore_mem>>)
    %dma_start3A_39 = arith.constant 15 : i32
    %dma_start3A_40 = arith.constant 4 : i32
    %dma_start3A_41 = arith.constant 0 : i32
    %dma_start3A_42 = arith.constant 0 : i32
    %dma_start3A_43 = tpu.memref_slice %arg3[%dma_start3A_40, %dma_start3A_41, %dma_start3A_42] : memref<40x4x128xf32, #tpu.memory_space<hbm>> -> memref<1x4x128xf32, #tpu.memory_space<hbm>>
    %dma_start3A_44 = tpu.memref_squeeze %dma_start3A_43 : memref<1x4x128xf32, #tpu.memory_space<hbm>> -> memref<4x128xf32, #tpu.memory_space<hbm>>
    %dma_start3A_45 = arith.constant 0 : i32
    %dma_start3A_46 = arith.constant 0 : i32
    %dma_start3A_47 = tpu.memref_slice %arg2[%dma_start3A_39, %dma_start3A_45, %dma_start3A_46] : memref<100000x4x128xf32, #tpu.memory_space<hbm>> -> memref<1x4x128xf32, #tpu.memory_space<hbm>>
    %dma_start3A_48 = tpu.memref_squeeze %dma_start3A_47 : memref<1x4x128xf32, #tpu.memory_space<hbm>> -> memref<4x128xf32, #tpu.memory_space<hbm>>
    tpu.enqueue_dma source(%dma_start3A_48 : memref<4x128xf32, #tpu.memory_space<hbm>>) target(%dma_start3A_44 : memref<4x128xf32, #tpu.memory_space<hbm>>) target_semaphore(%arg4 : memref<!tpu.dma_semaphore, #tpu.memory_space<semaphore_mem>>)
    %dma_start3A_49 = arith.constant 56013 : i32
    %dma_start3A_50 = arith.constant 5 : i32
    %dma_start3A_51 = arith.constant 0 : i32
    %dma_start3A_52 = arith.constant 0 : i32
    %dma_start3A_53 = tpu.memref_slice %arg3[%dma_start3A_50, %dma_start3A_51, %dma_start3A_52] : memref<40x4x128xf32, #tpu.memory_space<hbm>> -> memref<1x4x128xf32, #tpu.memory_space<hbm>>
    %dma_start3A_54 = tpu.memref_squeeze %dma_start3A_53 : memref<1x4x128xf32, #tpu.memory_space<hbm>> -> memref<4x128xf32, #tpu.memory_space<hbm>>
    %dma_start3A_55 = arith.constant 0 : i32
    %dma_start3A_56 = arith.constant 0 : i32
    %dma_start3A_57 = tpu.memref_slice %arg1[%dma_start3A_49, %dma_start3A_55, %dma_start3A_56] : memref<100000x4x128xf32, #tpu.memory_space<hbm>> -> memref<1x4x128xf32, #tpu.memory_space<hbm>>
    %dma_start3A_58 = tpu.memref_squeeze %dma_start3A_57 : memref<1x4x128xf32, #tpu.memory_space<hbm>> -> memref<4x128xf32, #tpu.memory_space<hbm>>
    tpu.enqueue_dma source(%dma_start3A_58 : memref<4x128xf32, #tpu.memory_space<hbm>>) target(%dma_start3A_54 : memref<4x128xf32, #tpu.memory_space<hbm>>) target_semaphore(%arg4 : memref<!tpu.dma_semaphore, #tpu.memory_space<semaphore_mem>>)
    %dma_start3A_59 = arith.constant 77105 : i32
    %dma_start3A_60 = arith.constant 6 : i32
    %dma_start3A_61 = arith.constant 0 : i32
    %dma_start3A_62 = arith.constant 0 : i32
    %dma_start3A_63 = tpu.memref_slice %arg3[%dma_start3A_60, %dma_start3A_61, %dma_start3A_62] : memref<40x4x128xf32, #tpu.memory_space<hbm>> -> memref<1x4x128xf32, #tpu.memory_space<hbm>>
    %dma_start3A_64 = tpu.memref_squeeze %dma_start3A_63 : memref<1x4x128xf32, #tpu.memory_space<hbm>> -> memref<4x128xf32, #tpu.memory_space<hbm>>
    %dma_start3A_65 = arith.constant 0 : i32
    %dma_start3A_66 = arith.constant 0 : i32
    %dma_start3A_67 = tpu.memref_slice %arg2[%dma_start3A_59, %dma_start3A_65, %dma_start3A_66] : memref<100000x4x128xf32, #tpu.memory_space<hbm>> -> memref<1x4x128xf32, #tpu.memory_space<hbm>>
    %dma_start3A_68 = tpu.memref_squeeze %dma_start3A_67 : memref<1x4x128xf32, #tpu.memory_space<hbm>> -> memref<4x128xf32, #tpu.memory_space<hbm>>
    tpu.enqueue_dma source(%dma_start3A_68 : memref<4x128xf32, #tpu.memory_space<hbm>>) target(%dma_start3A_64 : memref<4x128xf32, #tpu.memory_space<hbm>>) target_semaphore(%arg4 : memref<!tpu.dma_semaphore, #tpu.memory_space<semaphore_mem>>)
    %dma_start3A_69 = arith.constant 204 : i32
    %dma_start3A_70 = arith.constant 7 : i32
    %dma_start3A_71 = arith.constant 0 : i32
    %dma_start3A_72 = arith.constant 0 : i32
    %dma_start3A_73 = tpu.memref_slice %arg3[%dma_start3A_70, %dma_start3A_71, %dma_start3A_72] : memref<40x4x128xf32, #tpu.memory_space<hbm>> -> memref<1x4x128xf32, #tpu.memory_space<hbm>>
    %dma_start3A_74 = tpu.memref_squeeze %dma_start3A_73 : memref<1x4x128xf32, #tpu.memory_space<hbm>> -> memref<4x128xf32, #tpu.memory_space<hbm>>
    %dma_start3A_75 = arith.constant 0 : i32
    %dma_start3A_76 = arith.constant 0 : i32
    %dma_start3A_77 = tpu.memref_slice %arg1[%dma_start3A_69, %dma_start3A_75, %dma_start3A_76] : memref<100000x4x128xf32, #tpu.memory_space<hbm>> -> memref<1x4x128xf32, #tpu.memory_space<hbm>>
    %dma_start3A_78 = tpu.memref_squeeze %dma_start3A_77 : memref<1x4x128xf32, #tpu.memory_space<hbm>> -> memref<4x128xf32, #tpu.memory_space<hbm>>
    tpu.enqueue_dma source(%dma_start3A_78 : memref<4x128xf32, #tpu.memory_space<hbm>>) target(%dma_start3A_74 : memref<4x128xf32, #tpu.memory_space<hbm>>) target_semaphore(%arg4 : memref<!tpu.dma_semaphore, #tpu.memory_space<semaphore_mem>>)
    %dma_start3A_79 = arith.constant 3 : i32
    %dma_start3A_80 = arith.constant 8 : i32
    %dma_start3A_81 = arith.constant 0 : i32
    %dma_start3A_82 = arith.constant 0 : i32
    %dma_start3A_83 = tpu.memref_slice %arg3[%dma_start3A_80, %dma_start3A_81, %dma_start3A_82] : memref<40x4x128xf32, #tpu.memory_space<hbm>> -> memref<1x4x128xf32, #tpu.memory_space<hbm>>
    %dma_start3A_84 = tpu.memref_squeeze %dma_start3A_83 : memref<1x4x128xf32, #tpu.memory_space<hbm>> -> memref<4x128xf32, #tpu.memory_space<hbm>>
    %dma_start3A_85 = arith.constant 0 : i32
    %dma_start3A_86 = arith.constant 0 : i32
    %dma_start3A_87 = tpu.memref_slice %arg2[%dma_start3A_79, %dma_start3A_85, %dma_start3A_86] : memref<100000x4x128xf32, #tpu.memory_space<hbm>> -> memref<1x4x128xf32, #tpu.memory_space<hbm>>
    %dma_start3A_88 = tpu.memref_squeeze %dma_start3A_87 : memref<1x4x128xf32, #tpu.memory_space<hbm>> -> memref<4x128xf32, #tpu.memory_space<hbm>>
    tpu.enqueue_dma source(%dma_start3A_88 : memref<4x128xf32, #tpu.memory_space<hbm>>) target(%dma_start3A_84 : memref<4x128xf32, #tpu.memory_space<hbm>>) target_semaphore(%arg4 : memref<!tpu.dma_semaphore, #tpu.memory_space<semaphore_mem>>)
    %dma_start3A_89 = arith.constant 99998 : i32
    %dma_start3A_90 = arith.constant 9 : i32
    %dma_start3A_91 = arith.constant 0 : i32
    %dma_start3A_92 = arith.constant 0 : i32
    %dma_start3A_93 = tpu.memref_slice %arg3[%dma_start3A_90, %dma_start3A_91, %dma_start3A_92] : memref<40x4x128xf32, #tpu.memory_space<hbm>> -> memref<1x4x128xf32, #tpu.memory_space<hbm>>
    %dma_start3A_94 = tpu.memref_squeeze %dma_start3A_93 : memref<1x4x128xf32, #tpu.memory_space<hbm>> -> memref<4x128xf32, #tpu.memory_space<hbm>>
    %dma_start3A_95 = arith.constant 0 : i32
    %dma_start3A_96 = arith.constant 0 : i32
    %dma_start3A_97 = tpu.memref_slice %arg1[%dma_start3A_89, %dma_start3A_95, %dma_start3A_96] : memref<100000x4x128xf32, #tpu.memory_space<hbm>> -> memref<1x4x128xf32, #tpu.memory_space<hbm>>
    %dma_start3A_98 = tpu.memref_squeeze %dma_start3A_97 : memref<1x4x128xf32, #tpu.memory_space<hbm>> -> memref<4x128xf32, #tpu.memory_space<hbm>>
    tpu.enqueue_dma source(%dma_start3A_98 : memref<4x128xf32, #tpu.memory_space<hbm>>) target(%dma_start3A_94 : memref<4x128xf32, #tpu.memory_space<hbm>>) target_semaphore(%arg4 : memref<!tpu.dma_semaphore, #tpu.memory_space<semaphore_mem>>)
    %dma_start3A_99 = arith.constant 45000 : i32
    %dma_start3A_100 = arith.constant 10 : i32
    %dma_start3A_101 = arith.constant 0 : i32
    %dma_start3A_102 = arith.constant 0 : i32
    %dma_start3A_103 = tpu.memref_slice %arg3[%dma_start3A_100, %dma_start3A_101, %dma_start3A_102] : memref<40x4x128xf32, #tpu.memory_space<hbm>> -> memref<1x4x128xf32, #tpu.memory_space<hbm>>
    %dma_start3A_104 = tpu.memref_squeeze %dma_start3A_103 : memref<1x4x128xf32, #tpu.memory_space<hbm>> -> memref<4x128xf32, #tpu.memory_space<hbm>>
    %dma_start3A_105 = arith.constant 0 : i32
    %dma_start3A_106 = arith.constant 0 : i32
    %dma_start3A_107 = tpu.memref_slice %arg2[%dma_start3A_99, %dma_start3A_105, %dma_start3A_106] : memref<100000x4x128xf32, #tpu.memory_space<hbm>> -> memref<1x4x128xf32, #tpu.memory_space<hbm>>
    %dma_start3A_108 = tpu.memref_squeeze %dma_start3A_107 : memref<1x4x128xf32, #tpu.memory_space<hbm>> -> memref<4x128xf32, #tpu.memory_space<hbm>>
    tpu.enqueue_dma source(%dma_start3A_108 : memref<4x128xf32, #tpu.memory_space<hbm>>) target(%dma_start3A_104 : memref<4x128xf32, #tpu.memory_space<hbm>>) target_semaphore(%arg4 : memref<!tpu.dma_semaphore, #tpu.memory_space<semaphore_mem>>)
    %dma_start3A_109 = arith.constant 12345 : i32
    %dma_start3A_110 = arith.constant 11 : i32
    %dma_start3A_111 = arith.constant 0 : i32
    %dma_start3A_112 = arith.constant 0 : i32
    %dma_start3A_113 = tpu.memref_slice %arg3[%dma_start3A_110, %dma_start3A_111, %dma_start3A_112] : memref<40x4x128xf32, #tpu.memory_space<hbm>> -> memref<1x4x128xf32, #tpu.memory_space<hbm>>
    %dma_start3A_114 = tpu.memref_squeeze %dma_start3A_113 : memref<1x4x128xf32, #tpu.memory_space<hbm>> -> memref<4x128xf32, #tpu.memory_space<hbm>>
    %dma_start3A_115 = arith.constant 0 : i32
    %dma_start3A_116 = arith.constant 0 : i32
    %dma_start3A_117 = tpu.memref_slice %arg1[%dma_start3A_109, %dma_start3A_115, %dma_start3A_116] : memref<100000x4x128xf32, #tpu.memory_space<hbm>> -> memref<1x4x128xf32, #tpu.memory_space<hbm>>
    %dma_start3A_118 = tpu.memref_squeeze %dma_start3A_117 : memref<1x4x128xf32, #tpu.memory_space<hbm>> -> memref<4x128xf32, #tpu.memory_space<hbm>>
    tpu.enqueue_dma source(%dma_start3A_118 : memref<4x128xf32, #tpu.memory_space<hbm>>) target(%dma_start3A_114 : memref<4x128xf32, #tpu.memory_space<hbm>>) target_semaphore(%arg4 : memref<!tpu.dma_semaphore, #tpu.memory_space<semaphore_mem>>)
    %dma_start3A_119 = arith.constant 8812 : i32
    %dma_start3A_120 = arith.constant 12 : i32
    %dma_start3A_121 = arith.constant 0 : i32
    %dma_start3A_122 = arith.constant 0 : i32
    %dma_start3A_123 = tpu.memref_slice %arg3[%dma_start3A_120, %dma_start3A_121, %dma_start3A_122] : memref<40x4x128xf32, #tpu.memory_space<hbm>> -> memref<1x4x128xf32, #tpu.memory_space<hbm>>
    %dma_start3A_124 = tpu.memref_squeeze %dma_start3A_123 : memref<1x4x128xf32, #tpu.memory_space<hbm>> -> memref<4x128xf32, #tpu.memory_space<hbm>>
    %dma_start3A_125 = arith.constant 0 : i32
    %dma_start3A_126 = arith.constant 0 : i32
    %dma_start3A_127 = tpu.memref_slice %arg2[%dma_start3A_119, %dma_start3A_125, %dma_start3A_126] : memref<100000x4x128xf32, #tpu.memory_space<hbm>> -> memref<1x4x128xf32, #tpu.memory_space<hbm>>
    %dma_start3A_128 = tpu.memref_squeeze %dma_start3A_127 : memref<1x4x128xf32, #tpu.memory_space<hbm>> -> memref<4x128xf32, #tpu.memory_space<hbm>>
    tpu.enqueue_dma source(%dma_start3A_128 : memref<4x128xf32, #tpu.memory_space<hbm>>) target(%dma_start3A_124 : memref<4x128xf32, #tpu.memory_space<hbm>>) target_semaphore(%arg4 : memref<!tpu.dma_semaphore, #tpu.memory_space<semaphore_mem>>)
    %dma_start3A_129 = arith.constant 7 : i32
    %dma_start3A_130 = arith.constant 13 : i32
    %dma_start3A_131 = arith.constant 0 : i32
    %dma_start3A_132 = arith.constant 0 : i32
    %dma_start3A_133 = tpu.memref_slice %arg3[%dma_start3A_130, %dma_start3A_131, %dma_start3A_132] : memref<40x4x128xf32, #tpu.memory_space<hbm>> -> memref<1x4x128xf32, #tpu.memory_space<hbm>>
    %dma_start3A_134 = tpu.memref_squeeze %dma_start3A_133 : memref<1x4x128xf32, #tpu.memory_space<hbm>> -> memref<4x128xf32, #tpu.memory_space<hbm>>
    %dma_start3A_135 = arith.constant 0 : i32
    %dma_start3A_136 = arith.constant 0 : i32
    %dma_start3A_137 = tpu.memref_slice %arg1[%dma_start3A_129, %dma_start3A_135, %dma_start3A_136] : memref<100000x4x128xf32, #tpu.memory_space<hbm>> -> memref<1x4x128xf32, #tpu.memory_space<hbm>>
    %dma_start3A_138 = tpu.memref_squeeze %dma_start3A_137 : memref<1x4x128xf32, #tpu.memory_space<hbm>> -> memref<4x128xf32, #tpu.memory_space<hbm>>
    tpu.enqueue_dma source(%dma_start3A_138 : memref<4x128xf32, #tpu.memory_space<hbm>>) target(%dma_start3A_134 : memref<4x128xf32, #tpu.memory_space<hbm>>) target_semaphore(%arg4 : memref<!tpu.dma_semaphore, #tpu.memory_space<semaphore_mem>>)
    %dma_start3A_139 = arith.constant 67890 : i32
    %dma_start3A_140 = arith.constant 14 : i32
    %dma_start3A_141 = arith.constant 0 : i32
    %dma_start3A_142 = arith.constant 0 : i32
    %dma_start3A_143 = tpu.memref_slice %arg3[%dma_start3A_140, %dma_start3A_141, %dma_start3A_142] : memref<40x4x128xf32, #tpu.memory_space<hbm>> -> memref<1x4x128xf32, #tpu.memory_space<hbm>>
    %dma_start3A_144 = tpu.memref_squeeze %dma_start3A_143 : memref<1x4x128xf32, #tpu.memory_space<hbm>> -> memref<4x128xf32, #tpu.memory_space<hbm>>
    %dma_start3A_145 = arith.constant 0 : i32
    %dma_start3A_146 = arith.constant 0 : i32
    %dma_start3A_147 = tpu.memref_slice %arg2[%dma_start3A_139, %dma_start3A_145, %dma_start3A_146] : memref<100000x4x128xf32, #tpu.memory_space<hbm>> -> memref<1x4x128xf32, #tpu.memory_space<hbm>>
    %dma_start3A_148 = tpu.memref_squeeze %dma_start3A_147 : memref<1x4x128xf32, #tpu.memory_space<hbm>> -> memref<4x128xf32, #tpu.memory_space<hbm>>
    tpu.enqueue_dma source(%dma_start3A_148 : memref<4x128xf32, #tpu.memory_space<hbm>>) target(%dma_start3A_144 : memref<4x128xf32, #tpu.memory_space<hbm>>) target_semaphore(%arg4 : memref<!tpu.dma_semaphore, #tpu.memory_space<semaphore_mem>>)
    %dma_start3A_149 = arith.constant 23456 : i32
    %dma_start3A_150 = arith.constant 15 : i32
    %dma_start3A_151 = arith.constant 0 : i32
    %dma_start3A_152 = arith.constant 0 : i32
    %dma_start3A_153 = tpu.memref_slice %arg3[%dma_start3A_150, %dma_start3A_151, %dma_start3A_152] : memref<40x4x128xf32, #tpu.memory_space<hbm>> -> memref<1x4x128xf32, #tpu.memory_space<hbm>>
    %dma_start3A_154 = tpu.memref_squeeze %dma_start3A_153 : memref<1x4x128xf32, #tpu.memory_space<hbm>> -> memref<4x128xf32, #tpu.memory_space<hbm>>
    %dma_start3A_155 = arith.constant 0 : i32
    %dma_start3A_156 = arith.constant 0 : i32
    %dma_start3A_157 = tpu.memref_slice %arg1[%dma_start3A_149, %dma_start3A_155, %dma_start3A_156] : memref<100000x4x128xf32, #tpu.memory_space<hbm>> -> memref<1x4x128xf32, #tpu.memory_space<hbm>>
    %dma_start3A_158 = tpu.memref_squeeze %dma_start3A_157 : memref<1x4x128xf32, #tpu.memory_space<hbm>> -> memref<4x128xf32, #tpu.memory_space<hbm>>
    tpu.enqueue_dma source(%dma_start3A_158 : memref<4x128xf32, #tpu.memory_space<hbm>>) target(%dma_start3A_154 : memref<4x128xf32, #tpu.memory_space<hbm>>) target_semaphore(%arg4 : memref<!tpu.dma_semaphore, #tpu.memory_space<semaphore_mem>>)
    %dma_start3A_159 = arith.constant 15 : i32
    %dma_start3A_160 = arith.constant 16 : i32
    %dma_start3A_161 = arith.constant 0 : i32
    %dma_start3A_162 = arith.constant 0 : i32
    %dma_start3A_163 = tpu.memref_slice %arg3[%dma_start3A_160, %dma_start3A_161, %dma_start3A_162] : memref<40x4x128xf32, #tpu.memory_space<hbm>> -> memref<1x4x128xf32, #tpu.memory_space<hbm>>
    %dma_start3A_164 = tpu.memref_squeeze %dma_start3A_163 : memref<1x4x128xf32, #tpu.memory_space<hbm>> -> memref<4x128xf32, #tpu.memory_space<hbm>>
    %dma_start3A_165 = arith.constant 0 : i32
    %dma_start3A_166 = arith.constant 0 : i32
    %dma_start3A_167 = tpu.memref_slice %arg2[%dma_start3A_159, %dma_start3A_165, %dma_start3A_166] : memref<100000x4x128xf32, #tpu.memory_space<hbm>> -> memref<1x4x128xf32, #tpu.memory_space<hbm>>
    %dma_start3A_168 = tpu.memref_squeeze %dma_start3A_167 : memref<1x4x128xf32, #tpu.memory_space<hbm>> -> memref<4x128xf32, #tpu.memory_space<hbm>>
    tpu.enqueue_dma source(%dma_start3A_168 : memref<4x128xf32, #tpu.memory_space<hbm>>) target(%dma_start3A_164 : memref<4x128xf32, #tpu.memory_space<hbm>>) target_semaphore(%arg4 : memref<!tpu.dma_semaphore, #tpu.memory_space<semaphore_mem>>)
    %dma_start3A_169 = arith.constant 88001 : i32
    %dma_start3A_170 = arith.constant 17 : i32
    %dma_start3A_171 = arith.constant 0 : i32
    %dma_start3A_172 = arith.constant 0 : i32
    %dma_start3A_173 = tpu.memref_slice %arg3[%dma_start3A_170, %dma_start3A_171, %dma_start3A_172] : memref<40x4x128xf32, #tpu.memory_space<hbm>> -> memref<1x4x128xf32, #tpu.memory_space<hbm>>
    %dma_start3A_174 = tpu.memref_squeeze %dma_start3A_173 : memref<1x4x128xf32, #tpu.memory_space<hbm>> -> memref<4x128xf32, #tpu.memory_space<hbm>>
    %dma_start3A_175 = arith.constant 0 : i32
    %dma_start3A_176 = arith.constant 0 : i32
    %dma_start3A_177 = tpu.memref_slice %arg1[%dma_start3A_169, %dma_start3A_175, %dma_start3A_176] : memref<100000x4x128xf32, #tpu.memory_space<hbm>> -> memref<1x4x128xf32, #tpu.memory_space<hbm>>
    %dma_start3A_178 = tpu.memref_squeeze %dma_start3A_177 : memref<1x4x128xf32, #tpu.memory_space<hbm>> -> memref<4x128xf32, #tpu.memory_space<hbm>>
    tpu.enqueue_dma source(%dma_start3A_178 : memref<4x128xf32, #tpu.memory_space<hbm>>) target(%dma_start3A_174 : memref<4x128xf32, #tpu.memory_space<hbm>>) target_semaphore(%arg4 : memref<!tpu.dma_semaphore, #tpu.memory_space<semaphore_mem>>)
    %dma_start3A_179 = arith.constant 500 : i32
    %dma_start3A_180 = arith.constant 18 : i32
    %dma_start3A_181 = arith.constant 0 : i32
    %dma_start3A_182 = arith.constant 0 : i32
    %dma_start3A_183 = tpu.memref_slice %arg3[%dma_start3A_180, %dma_start3A_181, %dma_start3A_182] : memref<40x4x128xf32, #tpu.memory_space<hbm>> -> memref<1x4x128xf32, #tpu.memory_space<hbm>>
    %dma_start3A_184 = tpu.memref_squeeze %dma_start3A_183 : memref<1x4x128xf32, #tpu.memory_space<hbm>> -> memref<4x128xf32, #tpu.memory_space<hbm>>
    %dma_start3A_185 = arith.constant 0 : i32
    %dma_start3A_186 = arith.constant 0 : i32
    %dma_start3A_187 = tpu.memref_slice %arg2[%dma_start3A_179, %dma_start3A_185, %dma_start3A_186] : memref<100000x4x128xf32, #tpu.memory_space<hbm>> -> memref<1x4x128xf32, #tpu.memory_space<hbm>>
    %dma_start3A_188 = tpu.memref_squeeze %dma_start3A_187 : memref<1x4x128xf32, #tpu.memory_space<hbm>> -> memref<4x128xf32, #tpu.memory_space<hbm>>
    tpu.enqueue_dma source(%dma_start3A_188 : memref<4x128xf32, #tpu.memory_space<hbm>>) target(%dma_start3A_184 : memref<4x128xf32, #tpu.memory_space<hbm>>) target_semaphore(%arg4 : memref<!tpu.dma_semaphore, #tpu.memory_space<semaphore_mem>>)
    %dma_start3A_189 = arith.constant 204 : i32
    %dma_start3A_190 = arith.constant 19 : i32
    %dma_start3A_191 = arith.constant 0 : i32
    %dma_start3A_192 = arith.constant 0 : i32
    %dma_start3A_193 = tpu.memref_slice %arg3[%dma_start3A_190, %dma_start3A_191, %dma_start3A_192] : memref<40x4x128xf32, #tpu.memory_space<hbm>> -> memref<1x4x128xf32, #tpu.memory_space<hbm>>
    %dma_start3A_194 = tpu.memref_squeeze %dma_start3A_193 : memref<1x4x128xf32, #tpu.memory_space<hbm>> -> memref<4x128xf32, #tpu.memory_space<hbm>>
    %dma_start3A_195 = arith.constant 0 : i32
    %dma_start3A_196 = arith.constant 0 : i32
    %dma_start3A_197 = tpu.memref_slice %arg1[%dma_start3A_189, %dma_start3A_195, %dma_start3A_196] : memref<100000x4x128xf32, #tpu.memory_space<hbm>> -> memref<1x4x128xf32, #tpu.memory_space<hbm>>
    %dma_start3A_198 = tpu.memref_squeeze %dma_start3A_197 : memref<1x4x128xf32, #tpu.memory_space<hbm>> -> memref<4x128xf32, #tpu.memory_space<hbm>>
    tpu.enqueue_dma source(%dma_start3A_198 : memref<4x128xf32, #tpu.memory_space<hbm>>) target(%dma_start3A_194 : memref<4x128xf32, #tpu.memory_space<hbm>>) target_semaphore(%arg4 : memref<!tpu.dma_semaphore, #tpu.memory_space<semaphore_mem>>)
    %dma_start3A_199 = arith.constant 77105 : i32
    %dma_start3A_200 = arith.constant 20 : i32
    %dma_start3A_201 = arith.constant 0 : i32
    %dma_start3A_202 = arith.constant 0 : i32
    %dma_start3A_203 = tpu.memref_slice %arg3[%dma_start3A_200, %dma_start3A_201, %dma_start3A_202] : memref<40x4x128xf32, #tpu.memory_space<hbm>> -> memref<1x4x128xf32, #tpu.memory_space<hbm>>
    %dma_start3A_204 = tpu.memref_squeeze %dma_start3A_203 : memref<1x4x128xf32, #tpu.memory_space<hbm>> -> memref<4x128xf32, #tpu.memory_space<hbm>>
    %dma_start3A_205 = arith.constant 0 : i32
    %dma_start3A_206 = arith.constant 0 : i32
    %dma_start3A_207 = tpu.memref_slice %arg2[%dma_start3A_199, %dma_start3A_205, %dma_start3A_206] : memref<100000x4x128xf32, #tpu.memory_space<hbm>> -> memref<1x4x128xf32, #tpu.memory_space<hbm>>
    %dma_start3A_208 = tpu.memref_squeeze %dma_start3A_207 : memref<1x4x128xf32, #tpu.memory_space<hbm>> -> memref<4x128xf32, #tpu.memory_space<hbm>>
    tpu.enqueue_dma source(%dma_start3A_208 : memref<4x128xf32, #tpu.memory_space<hbm>>) target(%dma_start3A_204 : memref<4x128xf32, #tpu.memory_space<hbm>>) target_semaphore(%arg4 : memref<!tpu.dma_semaphore, #tpu.memory_space<semaphore_mem>>)
    %dma_start3A_209 = arith.constant 4096 : i32
    %dma_start3A_210 = arith.constant 21 : i32
    %dma_start3A_211 = arith.constant 0 : i32
    %dma_start3A_212 = arith.constant 0 : i32
    %dma_start3A_213 = tpu.memref_slice %arg3[%dma_start3A_210, %dma_start3A_211, %dma_start3A_212] : memref<40x4x128xf32, #tpu.memory_space<hbm>> -> memref<1x4x128xf32, #tpu.memory_space<hbm>>
    %dma_start3A_214 = tpu.memref_squeeze %dma_start3A_213 : memref<1x4x128xf32, #tpu.memory_space<hbm>> -> memref<4x128xf32, #tpu.memory_space<hbm>>
    %dma_start3A_215 = arith.constant 0 : i32
    %dma_start3A_216 = arith.constant 0 : i32
    %dma_start3A_217 = tpu.memref_slice %arg1[%dma_start3A_209, %dma_start3A_215, %dma_start3A_216] : memref<100000x4x128xf32, #tpu.memory_space<hbm>> -> memref<1x4x128xf32, #tpu.memory_space<hbm>>
    %dma_start3A_218 = tpu.memref_squeeze %dma_start3A_217 : memref<1x4x128xf32, #tpu.memory_space<hbm>> -> memref<4x128xf32, #tpu.memory_space<hbm>>
    tpu.enqueue_dma source(%dma_start3A_218 : memref<4x128xf32, #tpu.memory_space<hbm>>) target(%dma_start3A_214 : memref<4x128xf32, #tpu.memory_space<hbm>>) target_semaphore(%arg4 : memref<!tpu.dma_semaphore, #tpu.memory_space<semaphore_mem>>)
    %dma_start3A_219 = arith.constant 31415 : i32
    %dma_start3A_220 = arith.constant 22 : i32
    %dma_start3A_221 = arith.constant 0 : i32
    %dma_start3A_222 = arith.constant 0 : i32
    %dma_start3A_223 = tpu.memref_slice %arg3[%dma_start3A_220, %dma_start3A_221, %dma_start3A_222] : memref<40x4x128xf32, #tpu.memory_space<hbm>> -> memref<1x4x128xf32, #tpu.memory_space<hbm>>
    %dma_start3A_224 = tpu.memref_squeeze %dma_start3A_223 : memref<1x4x128xf32, #tpu.memory_space<hbm>> -> memref<4x128xf32, #tpu.memory_space<hbm>>
    %dma_start3A_225 = arith.constant 0 : i32
    %dma_start3A_226 = arith.constant 0 : i32
    %dma_start3A_227 = tpu.memref_slice %arg2[%dma_start3A_219, %dma_start3A_225, %dma_start3A_226] : memref<100000x4x128xf32, #tpu.memory_space<hbm>> -> memref<1x4x128xf32, #tpu.memory_space<hbm>>
    %dma_start3A_228 = tpu.memref_squeeze %dma_start3A_227 : memref<1x4x128xf32, #tpu.memory_space<hbm>> -> memref<4x128xf32, #tpu.memory_space<hbm>>
    tpu.enqueue_dma source(%dma_start3A_228 : memref<4x128xf32, #tpu.memory_space<hbm>>) target(%dma_start3A_224 : memref<4x128xf32, #tpu.memory_space<hbm>>) target_semaphore(%arg4 : memref<!tpu.dma_semaphore, #tpu.memory_space<semaphore_mem>>)
    %dma_start3A_229 = arith.constant 27182 : i32
    %dma_start3A_230 = arith.constant 23 : i32
    %dma_start3A_231 = arith.constant 0 : i32
    %dma_start3A_232 = arith.constant 0 : i32
    %dma_start3A_233 = tpu.memref_slice %arg3[%dma_start3A_230, %dma_start3A_231, %dma_start3A_232] : memref<40x4x128xf32, #tpu.memory_space<hbm>> -> memref<1x4x128xf32, #tpu.memory_space<hbm>>
    %dma_start3A_234 = tpu.memref_squeeze %dma_start3A_233 : memref<1x4x128xf32, #tpu.memory_space<hbm>> -> memref<4x128xf32, #tpu.memory_space<hbm>>
    %dma_start3A_235 = arith.constant 0 : i32
    %dma_start3A_236 = arith.constant 0 : i32
    %dma_start3A_237 = tpu.memref_slice %arg1[%dma_start3A_229, %dma_start3A_235, %dma_start3A_236] : memref<100000x4x128xf32, #tpu.memory_space<hbm>> -> memref<1x4x128xf32, #tpu.memory_space<hbm>>
    %dma_start3A_238 = tpu.memref_squeeze %dma_start3A_237 : memref<1x4x128xf32, #tpu.memory_space<hbm>> -> memref<4x128xf32, #tpu.memory_space<hbm>>
    tpu.enqueue_dma source(%dma_start3A_238 : memref<4x128xf32, #tpu.memory_space<hbm>>) target(%dma_start3A_234 : memref<4x128xf32, #tpu.memory_space<hbm>>) target_semaphore(%arg4 : memref<!tpu.dma_semaphore, #tpu.memory_space<semaphore_mem>>)
    %dma_start3A_239 = arith.constant 3 : i32
    %dma_start3A_240 = arith.constant 24 : i32
    %dma_start3A_241 = arith.constant 0 : i32
    %dma_start3A_242 = arith.constant 0 : i32
    %dma_start3A_243 = tpu.memref_slice %arg3[%dma_start3A_240, %dma_start3A_241, %dma_start3A_242] : memref<40x4x128xf32, #tpu.memory_space<hbm>> -> memref<1x4x128xf32, #tpu.memory_space<hbm>>
    %dma_start3A_244 = tpu.memref_squeeze %dma_start3A_243 : memref<1x4x128xf32, #tpu.memory_space<hbm>> -> memref<4x128xf32, #tpu.memory_space<hbm>>
    %dma_start3A_245 = arith.constant 0 : i32
    %dma_start3A_246 = arith.constant 0 : i32
    %dma_start3A_247 = tpu.memref_slice %arg2[%dma_start3A_239, %dma_start3A_245, %dma_start3A_246] : memref<100000x4x128xf32, #tpu.memory_space<hbm>> -> memref<1x4x128xf32, #tpu.memory_space<hbm>>
    %dma_start3A_248 = tpu.memref_squeeze %dma_start3A_247 : memref<1x4x128xf32, #tpu.memory_space<hbm>> -> memref<4x128xf32, #tpu.memory_space<hbm>>
    tpu.enqueue_dma source(%dma_start3A_248 : memref<4x128xf32, #tpu.memory_space<hbm>>) target(%dma_start3A_244 : memref<4x128xf32, #tpu.memory_space<hbm>>) target_semaphore(%arg4 : memref<!tpu.dma_semaphore, #tpu.memory_space<semaphore_mem>>)
    %dma_start3A_249 = arith.constant 56013 : i32
    %dma_start3A_250 = arith.constant 25 : i32
    %dma_start3A_251 = arith.constant 0 : i32
    %dma_start3A_252 = arith.constant 0 : i32
    %dma_start3A_253 = tpu.memref_slice %arg3[%dma_start3A_250, %dma_start3A_251, %dma_start3A_252] : memref<40x4x128xf32, #tpu.memory_space<hbm>> -> memref<1x4x128xf32, #tpu.memory_space<hbm>>
    %dma_start3A_254 = tpu.memref_squeeze %dma_start3A_253 : memref<1x4x128xf32, #tpu.memory_space<hbm>> -> memref<4x128xf32, #tpu.memory_space<hbm>>
    %dma_start3A_255 = arith.constant 0 : i32
    %dma_start3A_256 = arith.constant 0 : i32
    %dma_start3A_257 = tpu.memref_slice %arg1[%dma_start3A_249, %dma_start3A_255, %dma_start3A_256] : memref<100000x4x128xf32, #tpu.memory_space<hbm>> -> memref<1x4x128xf32, #tpu.memory_space<hbm>>
    %dma_start3A_258 = tpu.memref_squeeze %dma_start3A_257 : memref<1x4x128xf32, #tpu.memory_space<hbm>> -> memref<4x128xf32, #tpu.memory_space<hbm>>
    tpu.enqueue_dma source(%dma_start3A_258 : memref<4x128xf32, #tpu.memory_space<hbm>>) target(%dma_start3A_254 : memref<4x128xf32, #tpu.memory_space<hbm>>) target_semaphore(%arg4 : memref<!tpu.dma_semaphore, #tpu.memory_space<semaphore_mem>>)
    %dma_start3A_259 = arith.constant 99999 : i32
    %dma_start3A_260 = arith.constant 26 : i32
    %dma_start3A_261 = arith.constant 0 : i32
    %dma_start3A_262 = arith.constant 0 : i32
    %dma_start3A_263 = tpu.memref_slice %arg3[%dma_start3A_260, %dma_start3A_261, %dma_start3A_262] : memref<40x4x128xf32, #tpu.memory_space<hbm>> -> memref<1x4x128xf32, #tpu.memory_space<hbm>>
    %dma_start3A_264 = tpu.memref_squeeze %dma_start3A_263 : memref<1x4x128xf32, #tpu.memory_space<hbm>> -> memref<4x128xf32, #tpu.memory_space<hbm>>
    %dma_start3A_265 = arith.constant 0 : i32
    %dma_start3A_266 = arith.constant 0 : i32
    %dma_start3A_267 = tpu.memref_slice %arg2[%dma_start3A_259, %dma_start3A_265, %dma_start3A_266] : memref<100000x4x128xf32, #tpu.memory_space<hbm>> -> memref<1x4x128xf32, #tpu.memory_space<hbm>>
    %dma_start3A_268 = tpu.memref_squeeze %dma_start3A_267 : memref<1x4x128xf32, #tpu.memory_space<hbm>> -> memref<4x128xf32, #tpu.memory_space<hbm>>
    tpu.enqueue_dma source(%dma_start3A_268 : memref<4x128xf32, #tpu.memory_space<hbm>>) target(%dma_start3A_264 : memref<4x128xf32, #tpu.memory_space<hbm>>) target_semaphore(%arg4 : memref<!tpu.dma_semaphore, #tpu.memory_space<semaphore_mem>>)
    %dma_start3A_269 = arith.constant 1 : i32
    %dma_start3A_270 = arith.constant 27 : i32
    %dma_start3A_271 = arith.constant 0 : i32
    %dma_start3A_272 = arith.constant 0 : i32
    %dma_start3A_273 = tpu.memref_slice %arg3[%dma_start3A_270, %dma_start3A_271, %dma_start3A_272] : memref<40x4x128xf32, #tpu.memory_space<hbm>> -> memref<1x4x128xf32, #tpu.memory_space<hbm>>
    %dma_start3A_274 = tpu.memref_squeeze %dma_start3A_273 : memref<1x4x128xf32, #tpu.memory_space<hbm>> -> memref<4x128xf32, #tpu.memory_space<hbm>>
    %dma_start3A_275 = arith.constant 0 : i32
    %dma_start3A_276 = arith.constant 0 : i32
    %dma_start3A_277 = tpu.memref_slice %arg1[%dma_start3A_269, %dma_start3A_275, %dma_start3A_276] : memref<100000x4x128xf32, #tpu.memory_space<hbm>> -> memref<1x4x128xf32, #tpu.memory_space<hbm>>
    %dma_start3A_278 = tpu.memref_squeeze %dma_start3A_277 : memref<1x4x128xf32, #tpu.memory_space<hbm>> -> memref<4x128xf32, #tpu.memory_space<hbm>>
    tpu.enqueue_dma source(%dma_start3A_278 : memref<4x128xf32, #tpu.memory_space<hbm>>) target(%dma_start3A_274 : memref<4x128xf32, #tpu.memory_space<hbm>>) target_semaphore(%arg4 : memref<!tpu.dma_semaphore, #tpu.memory_space<semaphore_mem>>)
    %dma_start3A_279 = arith.constant 500 : i32
    %dma_start3A_280 = arith.constant 28 : i32
    %dma_start3A_281 = arith.constant 0 : i32
    %dma_start3A_282 = arith.constant 0 : i32
    %dma_start3A_283 = tpu.memref_slice %arg3[%dma_start3A_280, %dma_start3A_281, %dma_start3A_282] : memref<40x4x128xf32, #tpu.memory_space<hbm>> -> memref<1x4x128xf32, #tpu.memory_space<hbm>>
    %dma_start3A_284 = tpu.memref_squeeze %dma_start3A_283 : memref<1x4x128xf32, #tpu.memory_space<hbm>> -> memref<4x128xf32, #tpu.memory_space<hbm>>
    %dma_start3A_285 = arith.constant 0 : i32
    %dma_start3A_286 = arith.constant 0 : i32
    %dma_start3A_287 = tpu.memref_slice %arg2[%dma_start3A_279, %dma_start3A_285, %dma_start3A_286] : memref<100000x4x128xf32, #tpu.memory_space<hbm>> -> memref<1x4x128xf32, #tpu.memory_space<hbm>>
    %dma_start3A_288 = tpu.memref_squeeze %dma_start3A_287 : memref<1x4x128xf32, #tpu.memory_space<hbm>> -> memref<4x128xf32, #tpu.memory_space<hbm>>
    tpu.enqueue_dma source(%dma_start3A_288 : memref<4x128xf32, #tpu.memory_space<hbm>>) target(%dma_start3A_284 : memref<4x128xf32, #tpu.memory_space<hbm>>) target_semaphore(%arg4 : memref<!tpu.dma_semaphore, #tpu.memory_space<semaphore_mem>>)
    %dma_start3A_289 = arith.constant 12345 : i32
    %dma_start3A_290 = arith.constant 29 : i32
    %dma_start3A_291 = arith.constant 0 : i32
    %dma_start3A_292 = arith.constant 0 : i32
    %dma_start3A_293 = tpu.memref_slice %arg3[%dma_start3A_290, %dma_start3A_291, %dma_start3A_292] : memref<40x4x128xf32, #tpu.memory_space<hbm>> -> memref<1x4x128xf32, #tpu.memory_space<hbm>>
    %dma_start3A_294 = tpu.memref_squeeze %dma_start3A_293 : memref<1x4x128xf32, #tpu.memory_space<hbm>> -> memref<4x128xf32, #tpu.memory_space<hbm>>
    %dma_start3A_295 = arith.constant 0 : i32
    %dma_start3A_296 = arith.constant 0 : i32
    %dma_start3A_297 = tpu.memref_slice %arg1[%dma_start3A_289, %dma_start3A_295, %dma_start3A_296] : memref<100000x4x128xf32, #tpu.memory_space<hbm>> -> memref<1x4x128xf32, #tpu.memory_space<hbm>>
    %dma_start3A_298 = tpu.memref_squeeze %dma_start3A_297 : memref<1x4x128xf32, #tpu.memory_space<hbm>> -> memref<4x128xf32, #tpu.memory_space<hbm>>
    tpu.enqueue_dma source(%dma_start3A_298 : memref<4x128xf32, #tpu.memory_space<hbm>>) target(%dma_start3A_294 : memref<4x128xf32, #tpu.memory_space<hbm>>) target_semaphore(%arg4 : memref<!tpu.dma_semaphore, #tpu.memory_space<semaphore_mem>>)
    %dma_start3A_299 = arith.constant 8812 : i32
    %dma_start3A_300 = arith.constant 30 : i32
    %dma_start3A_301 = arith.constant 0 : i32
    %dma_start3A_302 = arith.constant 0 : i32
    %dma_start3A_303 = tpu.memref_slice %arg3[%dma_start3A_300, %dma_start3A_301, %dma_start3A_302] : memref<40x4x128xf32, #tpu.memory_space<hbm>> -> memref<1x4x128xf32, #tpu.memory_space<hbm>>
    %dma_start3A_304 = tpu.memref_squeeze %dma_start3A_303 : memref<1x4x128xf32, #tpu.memory_space<hbm>> -> memref<4x128xf32, #tpu.memory_space<hbm>>
    %dma_start3A_305 = arith.constant 0 : i32
    %dma_start3A_306 = arith.constant 0 : i32
    %dma_start3A_307 = tpu.memref_slice %arg2[%dma_start3A_299, %dma_start3A_305, %dma_start3A_306] : memref<100000x4x128xf32, #tpu.memory_space<hbm>> -> memref<1x4x128xf32, #tpu.memory_space<hbm>>
    %dma_start3A_308 = tpu.memref_squeeze %dma_start3A_307 : memref<1x4x128xf32, #tpu.memory_space<hbm>> -> memref<4x128xf32, #tpu.memory_space<hbm>>
    tpu.enqueue_dma source(%dma_start3A_308 : memref<4x128xf32, #tpu.memory_space<hbm>>) target(%dma_start3A_304 : memref<4x128xf32, #tpu.memory_space<hbm>>) target_semaphore(%arg4 : memref<!tpu.dma_semaphore, #tpu.memory_space<semaphore_mem>>)
    %dma_start3A_309 = arith.constant 65536 : i32
    %dma_start3A_310 = arith.constant 31 : i32
    %dma_start3A_311 = arith.constant 0 : i32
    %dma_start3A_312 = arith.constant 0 : i32
    %dma_start3A_313 = tpu.memref_slice %arg3[%dma_start3A_310, %dma_start3A_311, %dma_start3A_312] : memref<40x4x128xf32, #tpu.memory_space<hbm>> -> memref<1x4x128xf32, #tpu.memory_space<hbm>>
    %dma_start3A_314 = tpu.memref_squeeze %dma_start3A_313 : memref<1x4x128xf32, #tpu.memory_space<hbm>> -> memref<4x128xf32, #tpu.memory_space<hbm>>
    %dma_start3A_315 = arith.constant 0 : i32
    %dma_start3A_316 = arith.constant 0 : i32
    %dma_start3A_317 = tpu.memref_slice %arg1[%dma_start3A_309, %dma_start3A_315, %dma_start3A_316] : memref<100000x4x128xf32, #tpu.memory_space<hbm>> -> memref<1x4x128xf32, #tpu.memory_space<hbm>>
    %dma_start3A_318 = tpu.memref_squeeze %dma_start3A_317 : memref<1x4x128xf32, #tpu.memory_space<hbm>> -> memref<4x128xf32, #tpu.memory_space<hbm>>
    tpu.enqueue_dma source(%dma_start3A_318 : memref<4x128xf32, #tpu.memory_space<hbm>>) target(%dma_start3A_314 : memref<4x128xf32, #tpu.memory_space<hbm>>) target_semaphore(%arg4 : memref<!tpu.dma_semaphore, #tpu.memory_space<semaphore_mem>>)
    %dma_start3A_319 = arith.constant 42 : i32
    %dma_start3A_320 = arith.constant 32 : i32
    %dma_start3A_321 = arith.constant 0 : i32
    %dma_start3A_322 = arith.constant 0 : i32
    %dma_start3A_323 = tpu.memref_slice %arg3[%dma_start3A_320, %dma_start3A_321, %dma_start3A_322] : memref<40x4x128xf32, #tpu.memory_space<hbm>> -> memref<1x4x128xf32, #tpu.memory_space<hbm>>
    %dma_start3A_324 = tpu.memref_squeeze %dma_start3A_323 : memref<1x4x128xf32, #tpu.memory_space<hbm>> -> memref<4x128xf32, #tpu.memory_space<hbm>>
    %dma_start3A_325 = arith.constant 0 : i32
    %dma_start3A_326 = arith.constant 0 : i32
    %dma_start3A_327 = tpu.memref_slice %arg2[%dma_start3A_319, %dma_start3A_325, %dma_start3A_326] : memref<100000x4x128xf32, #tpu.memory_space<hbm>> -> memref<1x4x128xf32, #tpu.memory_space<hbm>>
    %dma_start3A_328 = tpu.memref_squeeze %dma_start3A_327 : memref<1x4x128xf32, #tpu.memory_space<hbm>> -> memref<4x128xf32, #tpu.memory_space<hbm>>
    tpu.enqueue_dma source(%dma_start3A_328 : memref<4x128xf32, #tpu.memory_space<hbm>>) target(%dma_start3A_324 : memref<4x128xf32, #tpu.memory_space<hbm>>) target_semaphore(%arg4 : memref<!tpu.dma_semaphore, #tpu.memory_space<semaphore_mem>>)
    %dma_start3A_329 = arith.constant 7 : i32
    %dma_start3A_330 = arith.constant 33 : i32
    %dma_start3A_331 = arith.constant 0 : i32
    %dma_start3A_332 = arith.constant 0 : i32
    %dma_start3A_333 = tpu.memref_slice %arg3[%dma_start3A_330, %dma_start3A_331, %dma_start3A_332] : memref<40x4x128xf32, #tpu.memory_space<hbm>> -> memref<1x4x128xf32, #tpu.memory_space<hbm>>
    %dma_start3A_334 = tpu.memref_squeeze %dma_start3A_333 : memref<1x4x128xf32, #tpu.memory_space<hbm>> -> memref<4x128xf32, #tpu.memory_space<hbm>>
    %dma_start3A_335 = arith.constant 0 : i32
    %dma_start3A_336 = arith.constant 0 : i32
    %dma_start3A_337 = tpu.memref_slice %arg1[%dma_start3A_329, %dma_start3A_335, %dma_start3A_336] : memref<100000x4x128xf32, #tpu.memory_space<hbm>> -> memref<1x4x128xf32, #tpu.memory_space<hbm>>
    %dma_start3A_338 = tpu.memref_squeeze %dma_start3A_337 : memref<1x4x128xf32, #tpu.memory_space<hbm>> -> memref<4x128xf32, #tpu.memory_space<hbm>>
    tpu.enqueue_dma source(%dma_start3A_338 : memref<4x128xf32, #tpu.memory_space<hbm>>) target(%dma_start3A_334 : memref<4x128xf32, #tpu.memory_space<hbm>>) target_semaphore(%arg4 : memref<!tpu.dma_semaphore, #tpu.memory_space<semaphore_mem>>)
    %dma_start3A_339 = arith.constant 31415 : i32
    %dma_start3A_340 = arith.constant 34 : i32
    %dma_start3A_341 = arith.constant 0 : i32
    %dma_start3A_342 = arith.constant 0 : i32
    %dma_start3A_343 = tpu.memref_slice %arg3[%dma_start3A_340, %dma_start3A_341, %dma_start3A_342] : memref<40x4x128xf32, #tpu.memory_space<hbm>> -> memref<1x4x128xf32, #tpu.memory_space<hbm>>
    %dma_start3A_344 = tpu.memref_squeeze %dma_start3A_343 : memref<1x4x128xf32, #tpu.memory_space<hbm>> -> memref<4x128xf32, #tpu.memory_space<hbm>>
    %dma_start3A_345 = arith.constant 0 : i32
    %dma_start3A_346 = arith.constant 0 : i32
    %dma_start3A_347 = tpu.memref_slice %arg2[%dma_start3A_339, %dma_start3A_345, %dma_start3A_346] : memref<100000x4x128xf32, #tpu.memory_space<hbm>> -> memref<1x4x128xf32, #tpu.memory_space<hbm>>
    %dma_start3A_348 = tpu.memref_squeeze %dma_start3A_347 : memref<1x4x128xf32, #tpu.memory_space<hbm>> -> memref<4x128xf32, #tpu.memory_space<hbm>>
    tpu.enqueue_dma source(%dma_start3A_348 : memref<4x128xf32, #tpu.memory_space<hbm>>) target(%dma_start3A_344 : memref<4x128xf32, #tpu.memory_space<hbm>>) target_semaphore(%arg4 : memref<!tpu.dma_semaphore, #tpu.memory_space<semaphore_mem>>)
    %dma_start3A_349 = arith.constant 99998 : i32
    %dma_start3A_350 = arith.constant 35 : i32
    %dma_start3A_351 = arith.constant 0 : i32
    %dma_start3A_352 = arith.constant 0 : i32
    %dma_start3A_353 = tpu.memref_slice %arg3[%dma_start3A_350, %dma_start3A_351, %dma_start3A_352] : memref<40x4x128xf32, #tpu.memory_space<hbm>> -> memref<1x4x128xf32, #tpu.memory_space<hbm>>
    %dma_start3A_354 = tpu.memref_squeeze %dma_start3A_353 : memref<1x4x128xf32, #tpu.memory_space<hbm>> -> memref<4x128xf32, #tpu.memory_space<hbm>>
    %dma_start3A_355 = arith.constant 0 : i32
    %dma_start3A_356 = arith.constant 0 : i32
    %dma_start3A_357 = tpu.memref_slice %arg1[%dma_start3A_349, %dma_start3A_355, %dma_start3A_356] : memref<100000x4x128xf32, #tpu.memory_space<hbm>> -> memref<1x4x128xf32, #tpu.memory_space<hbm>>
    %dma_start3A_358 = tpu.memref_squeeze %dma_start3A_357 : memref<1x4x128xf32, #tpu.memory_space<hbm>> -> memref<4x128xf32, #tpu.memory_space<hbm>>
    tpu.enqueue_dma source(%dma_start3A_358 : memref<4x128xf32, #tpu.memory_space<hbm>>) target(%dma_start3A_354 : memref<4x128xf32, #tpu.memory_space<hbm>>) target_semaphore(%arg4 : memref<!tpu.dma_semaphore, #tpu.memory_space<semaphore_mem>>)
    %dma_start3A_359 = arith.constant 15 : i32
    %dma_start3A_360 = arith.constant 36 : i32
    %dma_start3A_361 = arith.constant 0 : i32
    %dma_start3A_362 = arith.constant 0 : i32
    %dma_start3A_363 = tpu.memref_slice %arg3[%dma_start3A_360, %dma_start3A_361, %dma_start3A_362] : memref<40x4x128xf32, #tpu.memory_space<hbm>> -> memref<1x4x128xf32, #tpu.memory_space<hbm>>
    %dma_start3A_364 = tpu.memref_squeeze %dma_start3A_363 : memref<1x4x128xf32, #tpu.memory_space<hbm>> -> memref<4x128xf32, #tpu.memory_space<hbm>>
    %dma_start3A_365 = arith.constant 0 : i32
    %dma_start3A_366 = arith.constant 0 : i32
    %dma_start3A_367 = tpu.memref_slice %arg2[%dma_start3A_359, %dma_start3A_365, %dma_start3A_366] : memref<100000x4x128xf32, #tpu.memory_space<hbm>> -> memref<1x4x128xf32, #tpu.memory_space<hbm>>
    %dma_start3A_368 = tpu.memref_squeeze %dma_start3A_367 : memref<1x4x128xf32, #tpu.memory_space<hbm>> -> memref<4x128xf32, #tpu.memory_space<hbm>>
    tpu.enqueue_dma source(%dma_start3A_368 : memref<4x128xf32, #tpu.memory_space<hbm>>) target(%dma_start3A_364 : memref<4x128xf32, #tpu.memory_space<hbm>>) target_semaphore(%arg4 : memref<!tpu.dma_semaphore, #tpu.memory_space<semaphore_mem>>)
    %dma_start3A_369 = arith.constant 204 : i32
    %dma_start3A_370 = arith.constant 37 : i32
    %dma_start3A_371 = arith.constant 0 : i32
    %dma_start3A_372 = arith.constant 0 : i32
    %dma_start3A_373 = tpu.memref_slice %arg3[%dma_start3A_370, %dma_start3A_371, %dma_start3A_372] : memref<40x4x128xf32, #tpu.memory_space<hbm>> -> memref<1x4x128xf32, #tpu.memory_space<hbm>>
    %dma_start3A_374 = tpu.memref_squeeze %dma_start3A_373 : memref<1x4x128xf32, #tpu.memory_space<hbm>> -> memref<4x128xf32, #tpu.memory_space<hbm>>
    %dma_start3A_375 = arith.constant 0 : i32
    %dma_start3A_376 = arith.constant 0 : i32
    %dma_start3A_377 = tpu.memref_slice %arg1[%dma_start3A_369, %dma_start3A_375, %dma_start3A_376] : memref<100000x4x128xf32, #tpu.memory_space<hbm>> -> memref<1x4x128xf32, #tpu.memory_space<hbm>>
    %dma_start3A_378 = tpu.memref_squeeze %dma_start3A_377 : memref<1x4x128xf32, #tpu.memory_space<hbm>> -> memref<4x128xf32, #tpu.memory_space<hbm>>
    tpu.enqueue_dma source(%dma_start3A_378 : memref<4x128xf32, #tpu.memory_space<hbm>>) target(%dma_start3A_374 : memref<4x128xf32, #tpu.memory_space<hbm>>) target_semaphore(%arg4 : memref<!tpu.dma_semaphore, #tpu.memory_space<semaphore_mem>>)
    %dma_start3A_379 = arith.constant 45000 : i32
    %dma_start3A_380 = arith.constant 38 : i32
    %dma_start3A_381 = arith.constant 0 : i32
    %dma_start3A_382 = arith.constant 0 : i32
    %dma_start3A_383 = tpu.memref_slice %arg3[%dma_start3A_380, %dma_start3A_381, %dma_start3A_382] : memref<40x4x128xf32, #tpu.memory_space<hbm>> -> memref<1x4x128xf32, #tpu.memory_space<hbm>>
    %dma_start3A_384 = tpu.memref_squeeze %dma_start3A_383 : memref<1x4x128xf32, #tpu.memory_space<hbm>> -> memref<4x128xf32, #tpu.memory_space<hbm>>
    %dma_start3A_385 = arith.constant 0 : i32
    %dma_start3A_386 = arith.constant 0 : i32
    %dma_start3A_387 = tpu.memref_slice %arg2[%dma_start3A_379, %dma_start3A_385, %dma_start3A_386] : memref<100000x4x128xf32, #tpu.memory_space<hbm>> -> memref<1x4x128xf32, #tpu.memory_space<hbm>>
    %dma_start3A_388 = tpu.memref_squeeze %dma_start3A_387 : memref<1x4x128xf32, #tpu.memory_space<hbm>> -> memref<4x128xf32, #tpu.memory_space<hbm>>
    tpu.enqueue_dma source(%dma_start3A_388 : memref<4x128xf32, #tpu.memory_space<hbm>>) target(%dma_start3A_384 : memref<4x128xf32, #tpu.memory_space<hbm>>) target_semaphore(%arg4 : memref<!tpu.dma_semaphore, #tpu.memory_space<semaphore_mem>>)
    %dma_start3A_389 = arith.constant 88001 : i32
    %dma_start3A_390 = arith.constant 39 : i32
    %dma_start3A_391 = arith.constant 0 : i32
    %dma_start3A_392 = arith.constant 0 : i32
    %dma_start3A_393 = tpu.memref_slice %arg3[%dma_start3A_390, %dma_start3A_391, %dma_start3A_392] : memref<40x4x128xf32, #tpu.memory_space<hbm>> -> memref<1x4x128xf32, #tpu.memory_space<hbm>>
    %dma_start3A_394 = tpu.memref_squeeze %dma_start3A_393 : memref<1x4x128xf32, #tpu.memory_space<hbm>> -> memref<4x128xf32, #tpu.memory_space<hbm>>
    %dma_start3A_395 = arith.constant 0 : i32
    %dma_start3A_396 = arith.constant 0 : i32
    %dma_start3A_397 = tpu.memref_slice %arg1[%dma_start3A_389, %dma_start3A_395, %dma_start3A_396] : memref<100000x4x128xf32, #tpu.memory_space<hbm>> -> memref<1x4x128xf32, #tpu.memory_space<hbm>>
    %dma_start3A_398 = tpu.memref_squeeze %dma_start3A_397 : memref<1x4x128xf32, #tpu.memory_space<hbm>> -> memref<4x128xf32, #tpu.memory_space<hbm>>
    tpu.enqueue_dma source(%dma_start3A_398 : memref<4x128xf32, #tpu.memory_space<hbm>>) target(%dma_start3A_394 : memref<4x128xf32, #tpu.memory_space<hbm>>) target_semaphore(%arg4 : memref<!tpu.dma_semaphore, #tpu.memory_space<semaphore_mem>>)
    %dma_wait3A = arith.constant 15 : i32
    %dma_wait3A_399 = arith.constant 0 : i32
    %dma_wait3A_400 = arith.constant 0 : i32
    %dma_wait3A_401 = arith.constant 0 : i32
    %dma_wait3A_402 = tpu.memref_slice %arg3[%dma_wait3A_399, %dma_wait3A_400, %dma_wait3A_401] : memref<40x4x128xf32, #tpu.memory_space<hbm>> -> memref<1x4x128xf32, #tpu.memory_space<hbm>>
    %dma_wait3A_403 = tpu.memref_squeeze %dma_wait3A_402 : memref<1x4x128xf32, #tpu.memory_space<hbm>> -> memref<4x128xf32, #tpu.memory_space<hbm>>
    %dma_wait3A_404 = arith.constant 0 : i32
    %dma_wait3A_405 = arith.constant 0 : i32
    %dma_wait3A_406 = tpu.memref_slice %arg2[%dma_wait3A, %dma_wait3A_404, %dma_wait3A_405] : memref<100000x4x128xf32, #tpu.memory_space<hbm>> -> memref<1x4x128xf32, #tpu.memory_space<hbm>>
    %dma_wait3A_407 = tpu.memref_squeeze %dma_wait3A_406 : memref<1x4x128xf32, #tpu.memory_space<hbm>> -> memref<4x128xf32, #tpu.memory_space<hbm>>
    tpu.wait_dma2 semaphore(%arg4 : memref<!tpu.dma_semaphore, #tpu.memory_space<semaphore_mem>>) src(%dma_wait3A_407 : memref<4x128xf32, #tpu.memory_space<hbm>>) dst(%dma_wait3A_403 : memref<4x128xf32, #tpu.memory_space<hbm>>)
    %dma_wait3A_408 = arith.constant 204 : i32
    %dma_wait3A_409 = arith.constant 1 : i32
    %dma_wait3A_410 = arith.constant 0 : i32
    %dma_wait3A_411 = arith.constant 0 : i32
    %dma_wait3A_412 = tpu.memref_slice %arg3[%dma_wait3A_409, %dma_wait3A_410, %dma_wait3A_411] : memref<40x4x128xf32, #tpu.memory_space<hbm>> -> memref<1x4x128xf32, #tpu.memory_space<hbm>>
    %dma_wait3A_413 = tpu.memref_squeeze %dma_wait3A_412 : memref<1x4x128xf32, #tpu.memory_space<hbm>> -> memref<4x128xf32, #tpu.memory_space<hbm>>
    %dma_wait3A_414 = arith.constant 0 : i32
    %dma_wait3A_415 = arith.constant 0 : i32
    %dma_wait3A_416 = tpu.memref_slice %arg1[%dma_wait3A_408, %dma_wait3A_414, %dma_wait3A_415] : memref<100000x4x128xf32, #tpu.memory_space<hbm>> -> memref<1x4x128xf32, #tpu.memory_space<hbm>>
    %dma_wait3A_417 = tpu.memref_squeeze %dma_wait3A_416 : memref<1x4x128xf32, #tpu.memory_space<hbm>> -> memref<4x128xf32, #tpu.memory_space<hbm>>
    tpu.wait_dma2 semaphore(%arg4 : memref<!tpu.dma_semaphore, #tpu.memory_space<semaphore_mem>>) src(%dma_wait3A_417 : memref<4x128xf32, #tpu.memory_space<hbm>>) dst(%dma_wait3A_413 : memref<4x128xf32, #tpu.memory_space<hbm>>)
    %dma_wait3A_418 = arith.constant 8812 : i32
    %dma_wait3A_419 = arith.constant 2 : i32
    %dma_wait3A_420 = arith.constant 0 : i32
    %dma_wait3A_421 = arith.constant 0 : i32
    %dma_wait3A_422 = tpu.memref_slice %arg3[%dma_wait3A_419, %dma_wait3A_420, %dma_wait3A_421] : memref<40x4x128xf32, #tpu.memory_space<hbm>> -> memref<1x4x128xf32, #tpu.memory_space<hbm>>
    %dma_wait3A_423 = tpu.memref_squeeze %dma_wait3A_422 : memref<1x4x128xf32, #tpu.memory_space<hbm>> -> memref<4x128xf32, #tpu.memory_space<hbm>>
    %dma_wait3A_424 = arith.constant 0 : i32
    %dma_wait3A_425 = arith.constant 0 : i32
    %dma_wait3A_426 = tpu.memref_slice %arg2[%dma_wait3A_418, %dma_wait3A_424, %dma_wait3A_425] : memref<100000x4x128xf32, #tpu.memory_space<hbm>> -> memref<1x4x128xf32, #tpu.memory_space<hbm>>
    %dma_wait3A_427 = tpu.memref_squeeze %dma_wait3A_426 : memref<1x4x128xf32, #tpu.memory_space<hbm>> -> memref<4x128xf32, #tpu.memory_space<hbm>>
    tpu.wait_dma2 semaphore(%arg4 : memref<!tpu.dma_semaphore, #tpu.memory_space<semaphore_mem>>) src(%dma_wait3A_427 : memref<4x128xf32, #tpu.memory_space<hbm>>) dst(%dma_wait3A_423 : memref<4x128xf32, #tpu.memory_space<hbm>>)
    %dma_wait3A_428 = arith.constant 7 : i32
    %dma_wait3A_429 = arith.constant 3 : i32
    %dma_wait3A_430 = arith.constant 0 : i32
    %dma_wait3A_431 = arith.constant 0 : i32
    %dma_wait3A_432 = tpu.memref_slice %arg3[%dma_wait3A_429, %dma_wait3A_430, %dma_wait3A_431] : memref<40x4x128xf32, #tpu.memory_space<hbm>> -> memref<1x4x128xf32, #tpu.memory_space<hbm>>
    %dma_wait3A_433 = tpu.memref_squeeze %dma_wait3A_432 : memref<1x4x128xf32, #tpu.memory_space<hbm>> -> memref<4x128xf32, #tpu.memory_space<hbm>>
    %dma_wait3A_434 = arith.constant 0 : i32
    %dma_wait3A_435 = arith.constant 0 : i32
    %dma_wait3A_436 = tpu.memref_slice %arg1[%dma_wait3A_428, %dma_wait3A_434, %dma_wait3A_435] : memref<100000x4x128xf32, #tpu.memory_space<hbm>> -> memref<1x4x128xf32, #tpu.memory_space<hbm>>
    %dma_wait3A_437 = tpu.memref_squeeze %dma_wait3A_436 : memref<1x4x128xf32, #tpu.memory_space<hbm>> -> memref<4x128xf32, #tpu.memory_space<hbm>>
    tpu.wait_dma2 semaphore(%arg4 : memref<!tpu.dma_semaphore, #tpu.memory_space<semaphore_mem>>) src(%dma_wait3A_437 : memref<4x128xf32, #tpu.memory_space<hbm>>) dst(%dma_wait3A_433 : memref<4x128xf32, #tpu.memory_space<hbm>>)
    %dma_wait3A_438 = arith.constant 15 : i32
    %dma_wait3A_439 = arith.constant 4 : i32
    %dma_wait3A_440 = arith.constant 0 : i32
    %dma_wait3A_441 = arith.constant 0 : i32
    %dma_wait3A_442 = tpu.memref_slice %arg3[%dma_wait3A_439, %dma_wait3A_440, %dma_wait3A_441] : memref<40x4x128xf32, #tpu.memory_space<hbm>> -> memref<1x4x128xf32, #tpu.memory_space<hbm>>
    %dma_wait3A_443 = tpu.memref_squeeze %dma_wait3A_442 : memref<1x4x128xf32, #tpu.memory_space<hbm>> -> memref<4x128xf32, #tpu.memory_space<hbm>>
    %dma_wait3A_444 = arith.constant 0 : i32
    %dma_wait3A_445 = arith.constant 0 : i32
    %dma_wait3A_446 = tpu.memref_slice %arg2[%dma_wait3A_438, %dma_wait3A_444, %dma_wait3A_445] : memref<100000x4x128xf32, #tpu.memory_space<hbm>> -> memref<1x4x128xf32, #tpu.memory_space<hbm>>
    %dma_wait3A_447 = tpu.memref_squeeze %dma_wait3A_446 : memref<1x4x128xf32, #tpu.memory_space<hbm>> -> memref<4x128xf32, #tpu.memory_space<hbm>>
    tpu.wait_dma2 semaphore(%arg4 : memref<!tpu.dma_semaphore, #tpu.memory_space<semaphore_mem>>) src(%dma_wait3A_447 : memref<4x128xf32, #tpu.memory_space<hbm>>) dst(%dma_wait3A_443 : memref<4x128xf32, #tpu.memory_space<hbm>>)
    %dma_wait3A_448 = arith.constant 56013 : i32
    %dma_wait3A_449 = arith.constant 5 : i32
    %dma_wait3A_450 = arith.constant 0 : i32
    %dma_wait3A_451 = arith.constant 0 : i32
    %dma_wait3A_452 = tpu.memref_slice %arg3[%dma_wait3A_449, %dma_wait3A_450, %dma_wait3A_451] : memref<40x4x128xf32, #tpu.memory_space<hbm>> -> memref<1x4x128xf32, #tpu.memory_space<hbm>>
    %dma_wait3A_453 = tpu.memref_squeeze %dma_wait3A_452 : memref<1x4x128xf32, #tpu.memory_space<hbm>> -> memref<4x128xf32, #tpu.memory_space<hbm>>
    %dma_wait3A_454 = arith.constant 0 : i32
    %dma_wait3A_455 = arith.constant 0 : i32
    %dma_wait3A_456 = tpu.memref_slice %arg1[%dma_wait3A_448, %dma_wait3A_454, %dma_wait3A_455] : memref<100000x4x128xf32, #tpu.memory_space<hbm>> -> memref<1x4x128xf32, #tpu.memory_space<hbm>>
    %dma_wait3A_457 = tpu.memref_squeeze %dma_wait3A_456 : memref<1x4x128xf32, #tpu.memory_space<hbm>> -> memref<4x128xf32, #tpu.memory_space<hbm>>
    tpu.wait_dma2 semaphore(%arg4 : memref<!tpu.dma_semaphore, #tpu.memory_space<semaphore_mem>>) src(%dma_wait3A_457 : memref<4x128xf32, #tpu.memory_space<hbm>>) dst(%dma_wait3A_453 : memref<4x128xf32, #tpu.memory_space<hbm>>)
    %dma_wait3A_458 = arith.constant 77105 : i32
    %dma_wait3A_459 = arith.constant 6 : i32
    %dma_wait3A_460 = arith.constant 0 : i32
    %dma_wait3A_461 = arith.constant 0 : i32
    %dma_wait3A_462 = tpu.memref_slice %arg3[%dma_wait3A_459, %dma_wait3A_460, %dma_wait3A_461] : memref<40x4x128xf32, #tpu.memory_space<hbm>> -> memref<1x4x128xf32, #tpu.memory_space<hbm>>
    %dma_wait3A_463 = tpu.memref_squeeze %dma_wait3A_462 : memref<1x4x128xf32, #tpu.memory_space<hbm>> -> memref<4x128xf32, #tpu.memory_space<hbm>>
    %dma_wait3A_464 = arith.constant 0 : i32
    %dma_wait3A_465 = arith.constant 0 : i32
    %dma_wait3A_466 = tpu.memref_slice %arg2[%dma_wait3A_458, %dma_wait3A_464, %dma_wait3A_465] : memref<100000x4x128xf32, #tpu.memory_space<hbm>> -> memref<1x4x128xf32, #tpu.memory_space<hbm>>
    %dma_wait3A_467 = tpu.memref_squeeze %dma_wait3A_466 : memref<1x4x128xf32, #tpu.memory_space<hbm>> -> memref<4x128xf32, #tpu.memory_space<hbm>>
    tpu.wait_dma2 semaphore(%arg4 : memref<!tpu.dma_semaphore, #tpu.memory_space<semaphore_mem>>) src(%dma_wait3A_467 : memref<4x128xf32, #tpu.memory_space<hbm>>) dst(%dma_wait3A_463 : memref<4x128xf32, #tpu.memory_space<hbm>>)
    %dma_wait3A_468 = arith.constant 204 : i32
    %dma_wait3A_469 = arith.constant 7 : i32
    %dma_wait3A_470 = arith.constant 0 : i32
    %dma_wait3A_471 = arith.constant 0 : i32
    %dma_wait3A_472 = tpu.memref_slice %arg3[%dma_wait3A_469, %dma_wait3A_470, %dma_wait3A_471] : memref<40x4x128xf32, #tpu.memory_space<hbm>> -> memref<1x4x128xf32, #tpu.memory_space<hbm>>
    %dma_wait3A_473 = tpu.memref_squeeze %dma_wait3A_472 : memref<1x4x128xf32, #tpu.memory_space<hbm>> -> memref<4x128xf32, #tpu.memory_space<hbm>>
    %dma_wait3A_474 = arith.constant 0 : i32
    %dma_wait3A_475 = arith.constant 0 : i32
    %dma_wait3A_476 = tpu.memref_slice %arg1[%dma_wait3A_468, %dma_wait3A_474, %dma_wait3A_475] : memref<100000x4x128xf32, #tpu.memory_space<hbm>> -> memref<1x4x128xf32, #tpu.memory_space<hbm>>
    %dma_wait3A_477 = tpu.memref_squeeze %dma_wait3A_476 : memref<1x4x128xf32, #tpu.memory_space<hbm>> -> memref<4x128xf32, #tpu.memory_space<hbm>>
    tpu.wait_dma2 semaphore(%arg4 : memref<!tpu.dma_semaphore, #tpu.memory_space<semaphore_mem>>) src(%dma_wait3A_477 : memref<4x128xf32, #tpu.memory_space<hbm>>) dst(%dma_wait3A_473 : memref<4x128xf32, #tpu.memory_space<hbm>>)
    %dma_wait3A_478 = arith.constant 3 : i32
    %dma_wait3A_479 = arith.constant 8 : i32
    %dma_wait3A_480 = arith.constant 0 : i32
    %dma_wait3A_481 = arith.constant 0 : i32
    %dma_wait3A_482 = tpu.memref_slice %arg3[%dma_wait3A_479, %dma_wait3A_480, %dma_wait3A_481] : memref<40x4x128xf32, #tpu.memory_space<hbm>> -> memref<1x4x128xf32, #tpu.memory_space<hbm>>
    %dma_wait3A_483 = tpu.memref_squeeze %dma_wait3A_482 : memref<1x4x128xf32, #tpu.memory_space<hbm>> -> memref<4x128xf32, #tpu.memory_space<hbm>>
    %dma_wait3A_484 = arith.constant 0 : i32
    %dma_wait3A_485 = arith.constant 0 : i32
    %dma_wait3A_486 = tpu.memref_slice %arg2[%dma_wait3A_478, %dma_wait3A_484, %dma_wait3A_485] : memref<100000x4x128xf32, #tpu.memory_space<hbm>> -> memref<1x4x128xf32, #tpu.memory_space<hbm>>
    %dma_wait3A_487 = tpu.memref_squeeze %dma_wait3A_486 : memref<1x4x128xf32, #tpu.memory_space<hbm>> -> memref<4x128xf32, #tpu.memory_space<hbm>>
    tpu.wait_dma2 semaphore(%arg4 : memref<!tpu.dma_semaphore, #tpu.memory_space<semaphore_mem>>) src(%dma_wait3A_487 : memref<4x128xf32, #tpu.memory_space<hbm>>) dst(%dma_wait3A_483 : memref<4x128xf32, #tpu.memory_space<hbm>>)
    %dma_wait3A_488 = arith.constant 99998 : i32
    %dma_wait3A_489 = arith.constant 9 : i32
    %dma_wait3A_490 = arith.constant 0 : i32
    %dma_wait3A_491 = arith.constant 0 : i32
    %dma_wait3A_492 = tpu.memref_slice %arg3[%dma_wait3A_489, %dma_wait3A_490, %dma_wait3A_491] : memref<40x4x128xf32, #tpu.memory_space<hbm>> -> memref<1x4x128xf32, #tpu.memory_space<hbm>>
    %dma_wait3A_493 = tpu.memref_squeeze %dma_wait3A_492 : memref<1x4x128xf32, #tpu.memory_space<hbm>> -> memref<4x128xf32, #tpu.memory_space<hbm>>
    %dma_wait3A_494 = arith.constant 0 : i32
    %dma_wait3A_495 = arith.constant 0 : i32
    %dma_wait3A_496 = tpu.memref_slice %arg1[%dma_wait3A_488, %dma_wait3A_494, %dma_wait3A_495] : memref<100000x4x128xf32, #tpu.memory_space<hbm>> -> memref<1x4x128xf32, #tpu.memory_space<hbm>>
    %dma_wait3A_497 = tpu.memref_squeeze %dma_wait3A_496 : memref<1x4x128xf32, #tpu.memory_space<hbm>> -> memref<4x128xf32, #tpu.memory_space<hbm>>
    tpu.wait_dma2 semaphore(%arg4 : memref<!tpu.dma_semaphore, #tpu.memory_space<semaphore_mem>>) src(%dma_wait3A_497 : memref<4x128xf32, #tpu.memory_space<hbm>>) dst(%dma_wait3A_493 : memref<4x128xf32, #tpu.memory_space<hbm>>)
    %dma_wait3A_498 = arith.constant 45000 : i32
    %dma_wait3A_499 = arith.constant 10 : i32
    %dma_wait3A_500 = arith.constant 0 : i32
    %dma_wait3A_501 = arith.constant 0 : i32
    %dma_wait3A_502 = tpu.memref_slice %arg3[%dma_wait3A_499, %dma_wait3A_500, %dma_wait3A_501] : memref<40x4x128xf32, #tpu.memory_space<hbm>> -> memref<1x4x128xf32, #tpu.memory_space<hbm>>
    %dma_wait3A_503 = tpu.memref_squeeze %dma_wait3A_502 : memref<1x4x128xf32, #tpu.memory_space<hbm>> -> memref<4x128xf32, #tpu.memory_space<hbm>>
    %dma_wait3A_504 = arith.constant 0 : i32
    %dma_wait3A_505 = arith.constant 0 : i32
    %dma_wait3A_506 = tpu.memref_slice %arg2[%dma_wait3A_498, %dma_wait3A_504, %dma_wait3A_505] : memref<100000x4x128xf32, #tpu.memory_space<hbm>> -> memref<1x4x128xf32, #tpu.memory_space<hbm>>
    %dma_wait3A_507 = tpu.memref_squeeze %dma_wait3A_506 : memref<1x4x128xf32, #tpu.memory_space<hbm>> -> memref<4x128xf32, #tpu.memory_space<hbm>>
    tpu.wait_dma2 semaphore(%arg4 : memref<!tpu.dma_semaphore, #tpu.memory_space<semaphore_mem>>) src(%dma_wait3A_507 : memref<4x128xf32, #tpu.memory_space<hbm>>) dst(%dma_wait3A_503 : memref<4x128xf32, #tpu.memory_space<hbm>>)
    %dma_wait3A_508 = arith.constant 12345 : i32
    %dma_wait3A_509 = arith.constant 11 : i32
    %dma_wait3A_510 = arith.constant 0 : i32
    %dma_wait3A_511 = arith.constant 0 : i32
    %dma_wait3A_512 = tpu.memref_slice %arg3[%dma_wait3A_509, %dma_wait3A_510, %dma_wait3A_511] : memref<40x4x128xf32, #tpu.memory_space<hbm>> -> memref<1x4x128xf32, #tpu.memory_space<hbm>>
    %dma_wait3A_513 = tpu.memref_squeeze %dma_wait3A_512 : memref<1x4x128xf32, #tpu.memory_space<hbm>> -> memref<4x128xf32, #tpu.memory_space<hbm>>
    %dma_wait3A_514 = arith.constant 0 : i32
    %dma_wait3A_515 = arith.constant 0 : i32
    %dma_wait3A_516 = tpu.memref_slice %arg1[%dma_wait3A_508, %dma_wait3A_514, %dma_wait3A_515] : memref<100000x4x128xf32, #tpu.memory_space<hbm>> -> memref<1x4x128xf32, #tpu.memory_space<hbm>>
    %dma_wait3A_517 = tpu.memref_squeeze %dma_wait3A_516 : memref<1x4x128xf32, #tpu.memory_space<hbm>> -> memref<4x128xf32, #tpu.memory_space<hbm>>
    tpu.wait_dma2 semaphore(%arg4 : memref<!tpu.dma_semaphore, #tpu.memory_space<semaphore_mem>>) src(%dma_wait3A_517 : memref<4x128xf32, #tpu.memory_space<hbm>>) dst(%dma_wait3A_513 : memref<4x128xf32, #tpu.memory_space<hbm>>)
    %dma_wait3A_518 = arith.constant 8812 : i32
    %dma_wait3A_519 = arith.constant 12 : i32
    %dma_wait3A_520 = arith.constant 0 : i32
    %dma_wait3A_521 = arith.constant 0 : i32
    %dma_wait3A_522 = tpu.memref_slice %arg3[%dma_wait3A_519, %dma_wait3A_520, %dma_wait3A_521] : memref<40x4x128xf32, #tpu.memory_space<hbm>> -> memref<1x4x128xf32, #tpu.memory_space<hbm>>
    %dma_wait3A_523 = tpu.memref_squeeze %dma_wait3A_522 : memref<1x4x128xf32, #tpu.memory_space<hbm>> -> memref<4x128xf32, #tpu.memory_space<hbm>>
    %dma_wait3A_524 = arith.constant 0 : i32
    %dma_wait3A_525 = arith.constant 0 : i32
    %dma_wait3A_526 = tpu.memref_slice %arg2[%dma_wait3A_518, %dma_wait3A_524, %dma_wait3A_525] : memref<100000x4x128xf32, #tpu.memory_space<hbm>> -> memref<1x4x128xf32, #tpu.memory_space<hbm>>
    %dma_wait3A_527 = tpu.memref_squeeze %dma_wait3A_526 : memref<1x4x128xf32, #tpu.memory_space<hbm>> -> memref<4x128xf32, #tpu.memory_space<hbm>>
    tpu.wait_dma2 semaphore(%arg4 : memref<!tpu.dma_semaphore, #tpu.memory_space<semaphore_mem>>) src(%dma_wait3A_527 : memref<4x128xf32, #tpu.memory_space<hbm>>) dst(%dma_wait3A_523 : memref<4x128xf32, #tpu.memory_space<hbm>>)
    %dma_wait3A_528 = arith.constant 7 : i32
    %dma_wait3A_529 = arith.constant 13 : i32
    %dma_wait3A_530 = arith.constant 0 : i32
    %dma_wait3A_531 = arith.constant 0 : i32
    %dma_wait3A_532 = tpu.memref_slice %arg3[%dma_wait3A_529, %dma_wait3A_530, %dma_wait3A_531] : memref<40x4x128xf32, #tpu.memory_space<hbm>> -> memref<1x4x128xf32, #tpu.memory_space<hbm>>
    %dma_wait3A_533 = tpu.memref_squeeze %dma_wait3A_532 : memref<1x4x128xf32, #tpu.memory_space<hbm>> -> memref<4x128xf32, #tpu.memory_space<hbm>>
    %dma_wait3A_534 = arith.constant 0 : i32
    %dma_wait3A_535 = arith.constant 0 : i32
    %dma_wait3A_536 = tpu.memref_slice %arg1[%dma_wait3A_528, %dma_wait3A_534, %dma_wait3A_535] : memref<100000x4x128xf32, #tpu.memory_space<hbm>> -> memref<1x4x128xf32, #tpu.memory_space<hbm>>
    %dma_wait3A_537 = tpu.memref_squeeze %dma_wait3A_536 : memref<1x4x128xf32, #tpu.memory_space<hbm>> -> memref<4x128xf32, #tpu.memory_space<hbm>>
    tpu.wait_dma2 semaphore(%arg4 : memref<!tpu.dma_semaphore, #tpu.memory_space<semaphore_mem>>) src(%dma_wait3A_537 : memref<4x128xf32, #tpu.memory_space<hbm>>) dst(%dma_wait3A_533 : memref<4x128xf32, #tpu.memory_space<hbm>>)
    %dma_wait3A_538 = arith.constant 67890 : i32
    %dma_wait3A_539 = arith.constant 14 : i32
    %dma_wait3A_540 = arith.constant 0 : i32
    %dma_wait3A_541 = arith.constant 0 : i32
    %dma_wait3A_542 = tpu.memref_slice %arg3[%dma_wait3A_539, %dma_wait3A_540, %dma_wait3A_541] : memref<40x4x128xf32, #tpu.memory_space<hbm>> -> memref<1x4x128xf32, #tpu.memory_space<hbm>>
    %dma_wait3A_543 = tpu.memref_squeeze %dma_wait3A_542 : memref<1x4x128xf32, #tpu.memory_space<hbm>> -> memref<4x128xf32, #tpu.memory_space<hbm>>
    %dma_wait3A_544 = arith.constant 0 : i32
    %dma_wait3A_545 = arith.constant 0 : i32
    %dma_wait3A_546 = tpu.memref_slice %arg2[%dma_wait3A_538, %dma_wait3A_544, %dma_wait3A_545] : memref<100000x4x128xf32, #tpu.memory_space<hbm>> -> memref<1x4x128xf32, #tpu.memory_space<hbm>>
    %dma_wait3A_547 = tpu.memref_squeeze %dma_wait3A_546 : memref<1x4x128xf32, #tpu.memory_space<hbm>> -> memref<4x128xf32, #tpu.memory_space<hbm>>
    tpu.wait_dma2 semaphore(%arg4 : memref<!tpu.dma_semaphore, #tpu.memory_space<semaphore_mem>>) src(%dma_wait3A_547 : memref<4x128xf32, #tpu.memory_space<hbm>>) dst(%dma_wait3A_543 : memref<4x128xf32, #tpu.memory_space<hbm>>)
    %dma_wait3A_548 = arith.constant 23456 : i32
    %dma_wait3A_549 = arith.constant 15 : i32
    %dma_wait3A_550 = arith.constant 0 : i32
    %dma_wait3A_551 = arith.constant 0 : i32
    %dma_wait3A_552 = tpu.memref_slice %arg3[%dma_wait3A_549, %dma_wait3A_550, %dma_wait3A_551] : memref<40x4x128xf32, #tpu.memory_space<hbm>> -> memref<1x4x128xf32, #tpu.memory_space<hbm>>
    %dma_wait3A_553 = tpu.memref_squeeze %dma_wait3A_552 : memref<1x4x128xf32, #tpu.memory_space<hbm>> -> memref<4x128xf32, #tpu.memory_space<hbm>>
    %dma_wait3A_554 = arith.constant 0 : i32
    %dma_wait3A_555 = arith.constant 0 : i32
    %dma_wait3A_556 = tpu.memref_slice %arg1[%dma_wait3A_548, %dma_wait3A_554, %dma_wait3A_555] : memref<100000x4x128xf32, #tpu.memory_space<hbm>> -> memref<1x4x128xf32, #tpu.memory_space<hbm>>
    %dma_wait3A_557 = tpu.memref_squeeze %dma_wait3A_556 : memref<1x4x128xf32, #tpu.memory_space<hbm>> -> memref<4x128xf32, #tpu.memory_space<hbm>>
    tpu.wait_dma2 semaphore(%arg4 : memref<!tpu.dma_semaphore, #tpu.memory_space<semaphore_mem>>) src(%dma_wait3A_557 : memref<4x128xf32, #tpu.memory_space<hbm>>) dst(%dma_wait3A_553 : memref<4x128xf32, #tpu.memory_space<hbm>>)
    %dma_wait3A_558 = arith.constant 15 : i32
    %dma_wait3A_559 = arith.constant 16 : i32
    %dma_wait3A_560 = arith.constant 0 : i32
    %dma_wait3A_561 = arith.constant 0 : i32
    %dma_wait3A_562 = tpu.memref_slice %arg3[%dma_wait3A_559, %dma_wait3A_560, %dma_wait3A_561] : memref<40x4x128xf32, #tpu.memory_space<hbm>> -> memref<1x4x128xf32, #tpu.memory_space<hbm>>
    %dma_wait3A_563 = tpu.memref_squeeze %dma_wait3A_562 : memref<1x4x128xf32, #tpu.memory_space<hbm>> -> memref<4x128xf32, #tpu.memory_space<hbm>>
    %dma_wait3A_564 = arith.constant 0 : i32
    %dma_wait3A_565 = arith.constant 0 : i32
    %dma_wait3A_566 = tpu.memref_slice %arg2[%dma_wait3A_558, %dma_wait3A_564, %dma_wait3A_565] : memref<100000x4x128xf32, #tpu.memory_space<hbm>> -> memref<1x4x128xf32, #tpu.memory_space<hbm>>
    %dma_wait3A_567 = tpu.memref_squeeze %dma_wait3A_566 : memref<1x4x128xf32, #tpu.memory_space<hbm>> -> memref<4x128xf32, #tpu.memory_space<hbm>>
    tpu.wait_dma2 semaphore(%arg4 : memref<!tpu.dma_semaphore, #tpu.memory_space<semaphore_mem>>) src(%dma_wait3A_567 : memref<4x128xf32, #tpu.memory_space<hbm>>) dst(%dma_wait3A_563 : memref<4x128xf32, #tpu.memory_space<hbm>>)
    %dma_wait3A_568 = arith.constant 88001 : i32
    %dma_wait3A_569 = arith.constant 17 : i32
    %dma_wait3A_570 = arith.constant 0 : i32
    %dma_wait3A_571 = arith.constant 0 : i32
    %dma_wait3A_572 = tpu.memref_slice %arg3[%dma_wait3A_569, %dma_wait3A_570, %dma_wait3A_571] : memref<40x4x128xf32, #tpu.memory_space<hbm>> -> memref<1x4x128xf32, #tpu.memory_space<hbm>>
    %dma_wait3A_573 = tpu.memref_squeeze %dma_wait3A_572 : memref<1x4x128xf32, #tpu.memory_space<hbm>> -> memref<4x128xf32, #tpu.memory_space<hbm>>
    %dma_wait3A_574 = arith.constant 0 : i32
    %dma_wait3A_575 = arith.constant 0 : i32
    %dma_wait3A_576 = tpu.memref_slice %arg1[%dma_wait3A_568, %dma_wait3A_574, %dma_wait3A_575] : memref<100000x4x128xf32, #tpu.memory_space<hbm>> -> memref<1x4x128xf32, #tpu.memory_space<hbm>>
    %dma_wait3A_577 = tpu.memref_squeeze %dma_wait3A_576 : memref<1x4x128xf32, #tpu.memory_space<hbm>> -> memref<4x128xf32, #tpu.memory_space<hbm>>
    tpu.wait_dma2 semaphore(%arg4 : memref<!tpu.dma_semaphore, #tpu.memory_space<semaphore_mem>>) src(%dma_wait3A_577 : memref<4x128xf32, #tpu.memory_space<hbm>>) dst(%dma_wait3A_573 : memref<4x128xf32, #tpu.memory_space<hbm>>)
    %dma_wait3A_578 = arith.constant 500 : i32
    %dma_wait3A_579 = arith.constant 18 : i32
    %dma_wait3A_580 = arith.constant 0 : i32
    %dma_wait3A_581 = arith.constant 0 : i32
    %dma_wait3A_582 = tpu.memref_slice %arg3[%dma_wait3A_579, %dma_wait3A_580, %dma_wait3A_581] : memref<40x4x128xf32, #tpu.memory_space<hbm>> -> memref<1x4x128xf32, #tpu.memory_space<hbm>>
    %dma_wait3A_583 = tpu.memref_squeeze %dma_wait3A_582 : memref<1x4x128xf32, #tpu.memory_space<hbm>> -> memref<4x128xf32, #tpu.memory_space<hbm>>
    %dma_wait3A_584 = arith.constant 0 : i32
    %dma_wait3A_585 = arith.constant 0 : i32
    %dma_wait3A_586 = tpu.memref_slice %arg2[%dma_wait3A_578, %dma_wait3A_584, %dma_wait3A_585] : memref<100000x4x128xf32, #tpu.memory_space<hbm>> -> memref<1x4x128xf32, #tpu.memory_space<hbm>>
    %dma_wait3A_587 = tpu.memref_squeeze %dma_wait3A_586 : memref<1x4x128xf32, #tpu.memory_space<hbm>> -> memref<4x128xf32, #tpu.memory_space<hbm>>
    tpu.wait_dma2 semaphore(%arg4 : memref<!tpu.dma_semaphore, #tpu.memory_space<semaphore_mem>>) src(%dma_wait3A_587 : memref<4x128xf32, #tpu.memory_space<hbm>>) dst(%dma_wait3A_583 : memref<4x128xf32, #tpu.memory_space<hbm>>)
    %dma_wait3A_588 = arith.constant 204 : i32
    %dma_wait3A_589 = arith.constant 19 : i32
    %dma_wait3A_590 = arith.constant 0 : i32
    %dma_wait3A_591 = arith.constant 0 : i32
    %dma_wait3A_592 = tpu.memref_slice %arg3[%dma_wait3A_589, %dma_wait3A_590, %dma_wait3A_591] : memref<40x4x128xf32, #tpu.memory_space<hbm>> -> memref<1x4x128xf32, #tpu.memory_space<hbm>>
    %dma_wait3A_593 = tpu.memref_squeeze %dma_wait3A_592 : memref<1x4x128xf32, #tpu.memory_space<hbm>> -> memref<4x128xf32, #tpu.memory_space<hbm>>
    %dma_wait3A_594 = arith.constant 0 : i32
    %dma_wait3A_595 = arith.constant 0 : i32
    %dma_wait3A_596 = tpu.memref_slice %arg1[%dma_wait3A_588, %dma_wait3A_594, %dma_wait3A_595] : memref<100000x4x128xf32, #tpu.memory_space<hbm>> -> memref<1x4x128xf32, #tpu.memory_space<hbm>>
    %dma_wait3A_597 = tpu.memref_squeeze %dma_wait3A_596 : memref<1x4x128xf32, #tpu.memory_space<hbm>> -> memref<4x128xf32, #tpu.memory_space<hbm>>
    tpu.wait_dma2 semaphore(%arg4 : memref<!tpu.dma_semaphore, #tpu.memory_space<semaphore_mem>>) src(%dma_wait3A_597 : memref<4x128xf32, #tpu.memory_space<hbm>>) dst(%dma_wait3A_593 : memref<4x128xf32, #tpu.memory_space<hbm>>)
    %dma_wait3A_598 = arith.constant 77105 : i32
    %dma_wait3A_599 = arith.constant 20 : i32
    %dma_wait3A_600 = arith.constant 0 : i32
    %dma_wait3A_601 = arith.constant 0 : i32
    %dma_wait3A_602 = tpu.memref_slice %arg3[%dma_wait3A_599, %dma_wait3A_600, %dma_wait3A_601] : memref<40x4x128xf32, #tpu.memory_space<hbm>> -> memref<1x4x128xf32, #tpu.memory_space<hbm>>
    %dma_wait3A_603 = tpu.memref_squeeze %dma_wait3A_602 : memref<1x4x128xf32, #tpu.memory_space<hbm>> -> memref<4x128xf32, #tpu.memory_space<hbm>>
    %dma_wait3A_604 = arith.constant 0 : i32
    %dma_wait3A_605 = arith.constant 0 : i32
    %dma_wait3A_606 = tpu.memref_slice %arg2[%dma_wait3A_598, %dma_wait3A_604, %dma_wait3A_605] : memref<100000x4x128xf32, #tpu.memory_space<hbm>> -> memref<1x4x128xf32, #tpu.memory_space<hbm>>
    %dma_wait3A_607 = tpu.memref_squeeze %dma_wait3A_606 : memref<1x4x128xf32, #tpu.memory_space<hbm>> -> memref<4x128xf32, #tpu.memory_space<hbm>>
    tpu.wait_dma2 semaphore(%arg4 : memref<!tpu.dma_semaphore, #tpu.memory_space<semaphore_mem>>) src(%dma_wait3A_607 : memref<4x128xf32, #tpu.memory_space<hbm>>) dst(%dma_wait3A_603 : memref<4x128xf32, #tpu.memory_space<hbm>>)
    %dma_wait3A_608 = arith.constant 4096 : i32
    %dma_wait3A_609 = arith.constant 21 : i32
    %dma_wait3A_610 = arith.constant 0 : i32
    %dma_wait3A_611 = arith.constant 0 : i32
    %dma_wait3A_612 = tpu.memref_slice %arg3[%dma_wait3A_609, %dma_wait3A_610, %dma_wait3A_611] : memref<40x4x128xf32, #tpu.memory_space<hbm>> -> memref<1x4x128xf32, #tpu.memory_space<hbm>>
    %dma_wait3A_613 = tpu.memref_squeeze %dma_wait3A_612 : memref<1x4x128xf32, #tpu.memory_space<hbm>> -> memref<4x128xf32, #tpu.memory_space<hbm>>
    %dma_wait3A_614 = arith.constant 0 : i32
    %dma_wait3A_615 = arith.constant 0 : i32
    %dma_wait3A_616 = tpu.memref_slice %arg1[%dma_wait3A_608, %dma_wait3A_614, %dma_wait3A_615] : memref<100000x4x128xf32, #tpu.memory_space<hbm>> -> memref<1x4x128xf32, #tpu.memory_space<hbm>>
    %dma_wait3A_617 = tpu.memref_squeeze %dma_wait3A_616 : memref<1x4x128xf32, #tpu.memory_space<hbm>> -> memref<4x128xf32, #tpu.memory_space<hbm>>
    tpu.wait_dma2 semaphore(%arg4 : memref<!tpu.dma_semaphore, #tpu.memory_space<semaphore_mem>>) src(%dma_wait3A_617 : memref<4x128xf32, #tpu.memory_space<hbm>>) dst(%dma_wait3A_613 : memref<4x128xf32, #tpu.memory_space<hbm>>)
    %dma_wait3A_618 = arith.constant 31415 : i32
    %dma_wait3A_619 = arith.constant 22 : i32
    %dma_wait3A_620 = arith.constant 0 : i32
    %dma_wait3A_621 = arith.constant 0 : i32
    %dma_wait3A_622 = tpu.memref_slice %arg3[%dma_wait3A_619, %dma_wait3A_620, %dma_wait3A_621] : memref<40x4x128xf32, #tpu.memory_space<hbm>> -> memref<1x4x128xf32, #tpu.memory_space<hbm>>
    %dma_wait3A_623 = tpu.memref_squeeze %dma_wait3A_622 : memref<1x4x128xf32, #tpu.memory_space<hbm>> -> memref<4x128xf32, #tpu.memory_space<hbm>>
    %dma_wait3A_624 = arith.constant 0 : i32
    %dma_wait3A_625 = arith.constant 0 : i32
    %dma_wait3A_626 = tpu.memref_slice %arg2[%dma_wait3A_618, %dma_wait3A_624, %dma_wait3A_625] : memref<100000x4x128xf32, #tpu.memory_space<hbm>> -> memref<1x4x128xf32, #tpu.memory_space<hbm>>
    %dma_wait3A_627 = tpu.memref_squeeze %dma_wait3A_626 : memref<1x4x128xf32, #tpu.memory_space<hbm>> -> memref<4x128xf32, #tpu.memory_space<hbm>>
    tpu.wait_dma2 semaphore(%arg4 : memref<!tpu.dma_semaphore, #tpu.memory_space<semaphore_mem>>) src(%dma_wait3A_627 : memref<4x128xf32, #tpu.memory_space<hbm>>) dst(%dma_wait3A_623 : memref<4x128xf32, #tpu.memory_space<hbm>>)
    %dma_wait3A_628 = arith.constant 27182 : i32
    %dma_wait3A_629 = arith.constant 23 : i32
    %dma_wait3A_630 = arith.constant 0 : i32
    %dma_wait3A_631 = arith.constant 0 : i32
    %dma_wait3A_632 = tpu.memref_slice %arg3[%dma_wait3A_629, %dma_wait3A_630, %dma_wait3A_631] : memref<40x4x128xf32, #tpu.memory_space<hbm>> -> memref<1x4x128xf32, #tpu.memory_space<hbm>>
    %dma_wait3A_633 = tpu.memref_squeeze %dma_wait3A_632 : memref<1x4x128xf32, #tpu.memory_space<hbm>> -> memref<4x128xf32, #tpu.memory_space<hbm>>
    %dma_wait3A_634 = arith.constant 0 : i32
    %dma_wait3A_635 = arith.constant 0 : i32
    %dma_wait3A_636 = tpu.memref_slice %arg1[%dma_wait3A_628, %dma_wait3A_634, %dma_wait3A_635] : memref<100000x4x128xf32, #tpu.memory_space<hbm>> -> memref<1x4x128xf32, #tpu.memory_space<hbm>>
    %dma_wait3A_637 = tpu.memref_squeeze %dma_wait3A_636 : memref<1x4x128xf32, #tpu.memory_space<hbm>> -> memref<4x128xf32, #tpu.memory_space<hbm>>
    tpu.wait_dma2 semaphore(%arg4 : memref<!tpu.dma_semaphore, #tpu.memory_space<semaphore_mem>>) src(%dma_wait3A_637 : memref<4x128xf32, #tpu.memory_space<hbm>>) dst(%dma_wait3A_633 : memref<4x128xf32, #tpu.memory_space<hbm>>)
    %dma_wait3A_638 = arith.constant 3 : i32
    %dma_wait3A_639 = arith.constant 24 : i32
    %dma_wait3A_640 = arith.constant 0 : i32
    %dma_wait3A_641 = arith.constant 0 : i32
    %dma_wait3A_642 = tpu.memref_slice %arg3[%dma_wait3A_639, %dma_wait3A_640, %dma_wait3A_641] : memref<40x4x128xf32, #tpu.memory_space<hbm>> -> memref<1x4x128xf32, #tpu.memory_space<hbm>>
    %dma_wait3A_643 = tpu.memref_squeeze %dma_wait3A_642 : memref<1x4x128xf32, #tpu.memory_space<hbm>> -> memref<4x128xf32, #tpu.memory_space<hbm>>
    %dma_wait3A_644 = arith.constant 0 : i32
    %dma_wait3A_645 = arith.constant 0 : i32
    %dma_wait3A_646 = tpu.memref_slice %arg2[%dma_wait3A_638, %dma_wait3A_644, %dma_wait3A_645] : memref<100000x4x128xf32, #tpu.memory_space<hbm>> -> memref<1x4x128xf32, #tpu.memory_space<hbm>>
    %dma_wait3A_647 = tpu.memref_squeeze %dma_wait3A_646 : memref<1x4x128xf32, #tpu.memory_space<hbm>> -> memref<4x128xf32, #tpu.memory_space<hbm>>
    tpu.wait_dma2 semaphore(%arg4 : memref<!tpu.dma_semaphore, #tpu.memory_space<semaphore_mem>>) src(%dma_wait3A_647 : memref<4x128xf32, #tpu.memory_space<hbm>>) dst(%dma_wait3A_643 : memref<4x128xf32, #tpu.memory_space<hbm>>)
    %dma_wait3A_648 = arith.constant 56013 : i32
    %dma_wait3A_649 = arith.constant 25 : i32
    %dma_wait3A_650 = arith.constant 0 : i32
    %dma_wait3A_651 = arith.constant 0 : i32
    %dma_wait3A_652 = tpu.memref_slice %arg3[%dma_wait3A_649, %dma_wait3A_650, %dma_wait3A_651] : memref<40x4x128xf32, #tpu.memory_space<hbm>> -> memref<1x4x128xf32, #tpu.memory_space<hbm>>
    %dma_wait3A_653 = tpu.memref_squeeze %dma_wait3A_652 : memref<1x4x128xf32, #tpu.memory_space<hbm>> -> memref<4x128xf32, #tpu.memory_space<hbm>>
    %dma_wait3A_654 = arith.constant 0 : i32
    %dma_wait3A_655 = arith.constant 0 : i32
    %dma_wait3A_656 = tpu.memref_slice %arg1[%dma_wait3A_648, %dma_wait3A_654, %dma_wait3A_655] : memref<100000x4x128xf32, #tpu.memory_space<hbm>> -> memref<1x4x128xf32, #tpu.memory_space<hbm>>
    %dma_wait3A_657 = tpu.memref_squeeze %dma_wait3A_656 : memref<1x4x128xf32, #tpu.memory_space<hbm>> -> memref<4x128xf32, #tpu.memory_space<hbm>>
    tpu.wait_dma2 semaphore(%arg4 : memref<!tpu.dma_semaphore, #tpu.memory_space<semaphore_mem>>) src(%dma_wait3A_657 : memref<4x128xf32, #tpu.memory_space<hbm>>) dst(%dma_wait3A_653 : memref<4x128xf32, #tpu.memory_space<hbm>>)
    %dma_wait3A_658 = arith.constant 99999 : i32
    %dma_wait3A_659 = arith.constant 26 : i32
    %dma_wait3A_660 = arith.constant 0 : i32
    %dma_wait3A_661 = arith.constant 0 : i32
    %dma_wait3A_662 = tpu.memref_slice %arg3[%dma_wait3A_659, %dma_wait3A_660, %dma_wait3A_661] : memref<40x4x128xf32, #tpu.memory_space<hbm>> -> memref<1x4x128xf32, #tpu.memory_space<hbm>>
    %dma_wait3A_663 = tpu.memref_squeeze %dma_wait3A_662 : memref<1x4x128xf32, #tpu.memory_space<hbm>> -> memref<4x128xf32, #tpu.memory_space<hbm>>
    %dma_wait3A_664 = arith.constant 0 : i32
    %dma_wait3A_665 = arith.constant 0 : i32
    %dma_wait3A_666 = tpu.memref_slice %arg2[%dma_wait3A_658, %dma_wait3A_664, %dma_wait3A_665] : memref<100000x4x128xf32, #tpu.memory_space<hbm>> -> memref<1x4x128xf32, #tpu.memory_space<hbm>>
    %dma_wait3A_667 = tpu.memref_squeeze %dma_wait3A_666 : memref<1x4x128xf32, #tpu.memory_space<hbm>> -> memref<4x128xf32, #tpu.memory_space<hbm>>
    tpu.wait_dma2 semaphore(%arg4 : memref<!tpu.dma_semaphore, #tpu.memory_space<semaphore_mem>>) src(%dma_wait3A_667 : memref<4x128xf32, #tpu.memory_space<hbm>>) dst(%dma_wait3A_663 : memref<4x128xf32, #tpu.memory_space<hbm>>)
    %dma_wait3A_668 = arith.constant 1 : i32
    %dma_wait3A_669 = arith.constant 27 : i32
    %dma_wait3A_670 = arith.constant 0 : i32
    %dma_wait3A_671 = arith.constant 0 : i32
    %dma_wait3A_672 = tpu.memref_slice %arg3[%dma_wait3A_669, %dma_wait3A_670, %dma_wait3A_671] : memref<40x4x128xf32, #tpu.memory_space<hbm>> -> memref<1x4x128xf32, #tpu.memory_space<hbm>>
    %dma_wait3A_673 = tpu.memref_squeeze %dma_wait3A_672 : memref<1x4x128xf32, #tpu.memory_space<hbm>> -> memref<4x128xf32, #tpu.memory_space<hbm>>
    %dma_wait3A_674 = arith.constant 0 : i32
    %dma_wait3A_675 = arith.constant 0 : i32
    %dma_wait3A_676 = tpu.memref_slice %arg1[%dma_wait3A_668, %dma_wait3A_674, %dma_wait3A_675] : memref<100000x4x128xf32, #tpu.memory_space<hbm>> -> memref<1x4x128xf32, #tpu.memory_space<hbm>>
    %dma_wait3A_677 = tpu.memref_squeeze %dma_wait3A_676 : memref<1x4x128xf32, #tpu.memory_space<hbm>> -> memref<4x128xf32, #tpu.memory_space<hbm>>
    tpu.wait_dma2 semaphore(%arg4 : memref<!tpu.dma_semaphore, #tpu.memory_space<semaphore_mem>>) src(%dma_wait3A_677 : memref<4x128xf32, #tpu.memory_space<hbm>>) dst(%dma_wait3A_673 : memref<4x128xf32, #tpu.memory_space<hbm>>)
    %dma_wait3A_678 = arith.constant 500 : i32
    %dma_wait3A_679 = arith.constant 28 : i32
    %dma_wait3A_680 = arith.constant 0 : i32
    %dma_wait3A_681 = arith.constant 0 : i32
    %dma_wait3A_682 = tpu.memref_slice %arg3[%dma_wait3A_679, %dma_wait3A_680, %dma_wait3A_681] : memref<40x4x128xf32, #tpu.memory_space<hbm>> -> memref<1x4x128xf32, #tpu.memory_space<hbm>>
    %dma_wait3A_683 = tpu.memref_squeeze %dma_wait3A_682 : memref<1x4x128xf32, #tpu.memory_space<hbm>> -> memref<4x128xf32, #tpu.memory_space<hbm>>
    %dma_wait3A_684 = arith.constant 0 : i32
    %dma_wait3A_685 = arith.constant 0 : i32
    %dma_wait3A_686 = tpu.memref_slice %arg2[%dma_wait3A_678, %dma_wait3A_684, %dma_wait3A_685] : memref<100000x4x128xf32, #tpu.memory_space<hbm>> -> memref<1x4x128xf32, #tpu.memory_space<hbm>>
    %dma_wait3A_687 = tpu.memref_squeeze %dma_wait3A_686 : memref<1x4x128xf32, #tpu.memory_space<hbm>> -> memref<4x128xf32, #tpu.memory_space<hbm>>
    tpu.wait_dma2 semaphore(%arg4 : memref<!tpu.dma_semaphore, #tpu.memory_space<semaphore_mem>>) src(%dma_wait3A_687 : memref<4x128xf32, #tpu.memory_space<hbm>>) dst(%dma_wait3A_683 : memref<4x128xf32, #tpu.memory_space<hbm>>)
    %dma_wait3A_688 = arith.constant 12345 : i32
    %dma_wait3A_689 = arith.constant 29 : i32
    %dma_wait3A_690 = arith.constant 0 : i32
    %dma_wait3A_691 = arith.constant 0 : i32
    %dma_wait3A_692 = tpu.memref_slice %arg3[%dma_wait3A_689, %dma_wait3A_690, %dma_wait3A_691] : memref<40x4x128xf32, #tpu.memory_space<hbm>> -> memref<1x4x128xf32, #tpu.memory_space<hbm>>
    %dma_wait3A_693 = tpu.memref_squeeze %dma_wait3A_692 : memref<1x4x128xf32, #tpu.memory_space<hbm>> -> memref<4x128xf32, #tpu.memory_space<hbm>>
    %dma_wait3A_694 = arith.constant 0 : i32
    %dma_wait3A_695 = arith.constant 0 : i32
    %dma_wait3A_696 = tpu.memref_slice %arg1[%dma_wait3A_688, %dma_wait3A_694, %dma_wait3A_695] : memref<100000x4x128xf32, #tpu.memory_space<hbm>> -> memref<1x4x128xf32, #tpu.memory_space<hbm>>
    %dma_wait3A_697 = tpu.memref_squeeze %dma_wait3A_696 : memref<1x4x128xf32, #tpu.memory_space<hbm>> -> memref<4x128xf32, #tpu.memory_space<hbm>>
    tpu.wait_dma2 semaphore(%arg4 : memref<!tpu.dma_semaphore, #tpu.memory_space<semaphore_mem>>) src(%dma_wait3A_697 : memref<4x128xf32, #tpu.memory_space<hbm>>) dst(%dma_wait3A_693 : memref<4x128xf32, #tpu.memory_space<hbm>>)
    %dma_wait3A_698 = arith.constant 8812 : i32
    %dma_wait3A_699 = arith.constant 30 : i32
    %dma_wait3A_700 = arith.constant 0 : i32
    %dma_wait3A_701 = arith.constant 0 : i32
    %dma_wait3A_702 = tpu.memref_slice %arg3[%dma_wait3A_699, %dma_wait3A_700, %dma_wait3A_701] : memref<40x4x128xf32, #tpu.memory_space<hbm>> -> memref<1x4x128xf32, #tpu.memory_space<hbm>>
    %dma_wait3A_703 = tpu.memref_squeeze %dma_wait3A_702 : memref<1x4x128xf32, #tpu.memory_space<hbm>> -> memref<4x128xf32, #tpu.memory_space<hbm>>
    %dma_wait3A_704 = arith.constant 0 : i32
    %dma_wait3A_705 = arith.constant 0 : i32
    %dma_wait3A_706 = tpu.memref_slice %arg2[%dma_wait3A_698, %dma_wait3A_704, %dma_wait3A_705] : memref<100000x4x128xf32, #tpu.memory_space<hbm>> -> memref<1x4x128xf32, #tpu.memory_space<hbm>>
    %dma_wait3A_707 = tpu.memref_squeeze %dma_wait3A_706 : memref<1x4x128xf32, #tpu.memory_space<hbm>> -> memref<4x128xf32, #tpu.memory_space<hbm>>
    tpu.wait_dma2 semaphore(%arg4 : memref<!tpu.dma_semaphore, #tpu.memory_space<semaphore_mem>>) src(%dma_wait3A_707 : memref<4x128xf32, #tpu.memory_space<hbm>>) dst(%dma_wait3A_703 : memref<4x128xf32, #tpu.memory_space<hbm>>)
    %dma_wait3A_708 = arith.constant 65536 : i32
    %dma_wait3A_709 = arith.constant 31 : i32
    %dma_wait3A_710 = arith.constant 0 : i32
    %dma_wait3A_711 = arith.constant 0 : i32
    %dma_wait3A_712 = tpu.memref_slice %arg3[%dma_wait3A_709, %dma_wait3A_710, %dma_wait3A_711] : memref<40x4x128xf32, #tpu.memory_space<hbm>> -> memref<1x4x128xf32, #tpu.memory_space<hbm>>
    %dma_wait3A_713 = tpu.memref_squeeze %dma_wait3A_712 : memref<1x4x128xf32, #tpu.memory_space<hbm>> -> memref<4x128xf32, #tpu.memory_space<hbm>>
    %dma_wait3A_714 = arith.constant 0 : i32
    %dma_wait3A_715 = arith.constant 0 : i32
    %dma_wait3A_716 = tpu.memref_slice %arg1[%dma_wait3A_708, %dma_wait3A_714, %dma_wait3A_715] : memref<100000x4x128xf32, #tpu.memory_space<hbm>> -> memref<1x4x128xf32, #tpu.memory_space<hbm>>
    %dma_wait3A_717 = tpu.memref_squeeze %dma_wait3A_716 : memref<1x4x128xf32, #tpu.memory_space<hbm>> -> memref<4x128xf32, #tpu.memory_space<hbm>>
    tpu.wait_dma2 semaphore(%arg4 : memref<!tpu.dma_semaphore, #tpu.memory_space<semaphore_mem>>) src(%dma_wait3A_717 : memref<4x128xf32, #tpu.memory_space<hbm>>) dst(%dma_wait3A_713 : memref<4x128xf32, #tpu.memory_space<hbm>>)
    %dma_wait3A_718 = arith.constant 42 : i32
    %dma_wait3A_719 = arith.constant 32 : i32
    %dma_wait3A_720 = arith.constant 0 : i32
    %dma_wait3A_721 = arith.constant 0 : i32
    %dma_wait3A_722 = tpu.memref_slice %arg3[%dma_wait3A_719, %dma_wait3A_720, %dma_wait3A_721] : memref<40x4x128xf32, #tpu.memory_space<hbm>> -> memref<1x4x128xf32, #tpu.memory_space<hbm>>
    %dma_wait3A_723 = tpu.memref_squeeze %dma_wait3A_722 : memref<1x4x128xf32, #tpu.memory_space<hbm>> -> memref<4x128xf32, #tpu.memory_space<hbm>>
    %dma_wait3A_724 = arith.constant 0 : i32
    %dma_wait3A_725 = arith.constant 0 : i32
    %dma_wait3A_726 = tpu.memref_slice %arg2[%dma_wait3A_718, %dma_wait3A_724, %dma_wait3A_725] : memref<100000x4x128xf32, #tpu.memory_space<hbm>> -> memref<1x4x128xf32, #tpu.memory_space<hbm>>
    %dma_wait3A_727 = tpu.memref_squeeze %dma_wait3A_726 : memref<1x4x128xf32, #tpu.memory_space<hbm>> -> memref<4x128xf32, #tpu.memory_space<hbm>>
    tpu.wait_dma2 semaphore(%arg4 : memref<!tpu.dma_semaphore, #tpu.memory_space<semaphore_mem>>) src(%dma_wait3A_727 : memref<4x128xf32, #tpu.memory_space<hbm>>) dst(%dma_wait3A_723 : memref<4x128xf32, #tpu.memory_space<hbm>>)
    %dma_wait3A_728 = arith.constant 7 : i32
    %dma_wait3A_729 = arith.constant 33 : i32
    %dma_wait3A_730 = arith.constant 0 : i32
    %dma_wait3A_731 = arith.constant 0 : i32
    %dma_wait3A_732 = tpu.memref_slice %arg3[%dma_wait3A_729, %dma_wait3A_730, %dma_wait3A_731] : memref<40x4x128xf32, #tpu.memory_space<hbm>> -> memref<1x4x128xf32, #tpu.memory_space<hbm>>
    %dma_wait3A_733 = tpu.memref_squeeze %dma_wait3A_732 : memref<1x4x128xf32, #tpu.memory_space<hbm>> -> memref<4x128xf32, #tpu.memory_space<hbm>>
    %dma_wait3A_734 = arith.constant 0 : i32
    %dma_wait3A_735 = arith.constant 0 : i32
    %dma_wait3A_736 = tpu.memref_slice %arg1[%dma_wait3A_728, %dma_wait3A_734, %dma_wait3A_735] : memref<100000x4x128xf32, #tpu.memory_space<hbm>> -> memref<1x4x128xf32, #tpu.memory_space<hbm>>
    %dma_wait3A_737 = tpu.memref_squeeze %dma_wait3A_736 : memref<1x4x128xf32, #tpu.memory_space<hbm>> -> memref<4x128xf32, #tpu.memory_space<hbm>>
    tpu.wait_dma2 semaphore(%arg4 : memref<!tpu.dma_semaphore, #tpu.memory_space<semaphore_mem>>) src(%dma_wait3A_737 : memref<4x128xf32, #tpu.memory_space<hbm>>) dst(%dma_wait3A_733 : memref<4x128xf32, #tpu.memory_space<hbm>>)
    %dma_wait3A_738 = arith.constant 31415 : i32
    %dma_wait3A_739 = arith.constant 34 : i32
    %dma_wait3A_740 = arith.constant 0 : i32
    %dma_wait3A_741 = arith.constant 0 : i32
    %dma_wait3A_742 = tpu.memref_slice %arg3[%dma_wait3A_739, %dma_wait3A_740, %dma_wait3A_741] : memref<40x4x128xf32, #tpu.memory_space<hbm>> -> memref<1x4x128xf32, #tpu.memory_space<hbm>>
    %dma_wait3A_743 = tpu.memref_squeeze %dma_wait3A_742 : memref<1x4x128xf32, #tpu.memory_space<hbm>> -> memref<4x128xf32, #tpu.memory_space<hbm>>
    %dma_wait3A_744 = arith.constant 0 : i32
    %dma_wait3A_745 = arith.constant 0 : i32
    %dma_wait3A_746 = tpu.memref_slice %arg2[%dma_wait3A_738, %dma_wait3A_744, %dma_wait3A_745] : memref<100000x4x128xf32, #tpu.memory_space<hbm>> -> memref<1x4x128xf32, #tpu.memory_space<hbm>>
    %dma_wait3A_747 = tpu.memref_squeeze %dma_wait3A_746 : memref<1x4x128xf32, #tpu.memory_space<hbm>> -> memref<4x128xf32, #tpu.memory_space<hbm>>
    tpu.wait_dma2 semaphore(%arg4 : memref<!tpu.dma_semaphore, #tpu.memory_space<semaphore_mem>>) src(%dma_wait3A_747 : memref<4x128xf32, #tpu.memory_space<hbm>>) dst(%dma_wait3A_743 : memref<4x128xf32, #tpu.memory_space<hbm>>)
    %dma_wait3A_748 = arith.constant 99998 : i32
    %dma_wait3A_749 = arith.constant 35 : i32
    %dma_wait3A_750 = arith.constant 0 : i32
    %dma_wait3A_751 = arith.constant 0 : i32
    %dma_wait3A_752 = tpu.memref_slice %arg3[%dma_wait3A_749, %dma_wait3A_750, %dma_wait3A_751] : memref<40x4x128xf32, #tpu.memory_space<hbm>> -> memref<1x4x128xf32, #tpu.memory_space<hbm>>
    %dma_wait3A_753 = tpu.memref_squeeze %dma_wait3A_752 : memref<1x4x128xf32, #tpu.memory_space<hbm>> -> memref<4x128xf32, #tpu.memory_space<hbm>>
    %dma_wait3A_754 = arith.constant 0 : i32
    %dma_wait3A_755 = arith.constant 0 : i32
    %dma_wait3A_756 = tpu.memref_slice %arg1[%dma_wait3A_748, %dma_wait3A_754, %dma_wait3A_755] : memref<100000x4x128xf32, #tpu.memory_space<hbm>> -> memref<1x4x128xf32, #tpu.memory_space<hbm>>
    %dma_wait3A_757 = tpu.memref_squeeze %dma_wait3A_756 : memref<1x4x128xf32, #tpu.memory_space<hbm>> -> memref<4x128xf32, #tpu.memory_space<hbm>>
    tpu.wait_dma2 semaphore(%arg4 : memref<!tpu.dma_semaphore, #tpu.memory_space<semaphore_mem>>) src(%dma_wait3A_757 : memref<4x128xf32, #tpu.memory_space<hbm>>) dst(%dma_wait3A_753 : memref<4x128xf32, #tpu.memory_space<hbm>>)
    %dma_wait3A_758 = arith.constant 15 : i32
    %dma_wait3A_759 = arith.constant 36 : i32
    %dma_wait3A_760 = arith.constant 0 : i32
    %dma_wait3A_761 = arith.constant 0 : i32
    %dma_wait3A_762 = tpu.memref_slice %arg3[%dma_wait3A_759, %dma_wait3A_760, %dma_wait3A_761] : memref<40x4x128xf32, #tpu.memory_space<hbm>> -> memref<1x4x128xf32, #tpu.memory_space<hbm>>
    %dma_wait3A_763 = tpu.memref_squeeze %dma_wait3A_762 : memref<1x4x128xf32, #tpu.memory_space<hbm>> -> memref<4x128xf32, #tpu.memory_space<hbm>>
    %dma_wait3A_764 = arith.constant 0 : i32
    %dma_wait3A_765 = arith.constant 0 : i32
    %dma_wait3A_766 = tpu.memref_slice %arg2[%dma_wait3A_758, %dma_wait3A_764, %dma_wait3A_765] : memref<100000x4x128xf32, #tpu.memory_space<hbm>> -> memref<1x4x128xf32, #tpu.memory_space<hbm>>
    %dma_wait3A_767 = tpu.memref_squeeze %dma_wait3A_766 : memref<1x4x128xf32, #tpu.memory_space<hbm>> -> memref<4x128xf32, #tpu.memory_space<hbm>>
    tpu.wait_dma2 semaphore(%arg4 : memref<!tpu.dma_semaphore, #tpu.memory_space<semaphore_mem>>) src(%dma_wait3A_767 : memref<4x128xf32, #tpu.memory_space<hbm>>) dst(%dma_wait3A_763 : memref<4x128xf32, #tpu.memory_space<hbm>>)
    %dma_wait3A_768 = arith.constant 204 : i32
    %dma_wait3A_769 = arith.constant 37 : i32
    %dma_wait3A_770 = arith.constant 0 : i32
    %dma_wait3A_771 = arith.constant 0 : i32
    %dma_wait3A_772 = tpu.memref_slice %arg3[%dma_wait3A_769, %dma_wait3A_770, %dma_wait3A_771] : memref<40x4x128xf32, #tpu.memory_space<hbm>> -> memref<1x4x128xf32, #tpu.memory_space<hbm>>
    %dma_wait3A_773 = tpu.memref_squeeze %dma_wait3A_772 : memref<1x4x128xf32, #tpu.memory_space<hbm>> -> memref<4x128xf32, #tpu.memory_space<hbm>>
    %dma_wait3A_774 = arith.constant 0 : i32
    %dma_wait3A_775 = arith.constant 0 : i32
    %dma_wait3A_776 = tpu.memref_slice %arg1[%dma_wait3A_768, %dma_wait3A_774, %dma_wait3A_775] : memref<100000x4x128xf32, #tpu.memory_space<hbm>> -> memref<1x4x128xf32, #tpu.memory_space<hbm>>
    %dma_wait3A_777 = tpu.memref_squeeze %dma_wait3A_776 : memref<1x4x128xf32, #tpu.memory_space<hbm>> -> memref<4x128xf32, #tpu.memory_space<hbm>>
    tpu.wait_dma2 semaphore(%arg4 : memref<!tpu.dma_semaphore, #tpu.memory_space<semaphore_mem>>) src(%dma_wait3A_777 : memref<4x128xf32, #tpu.memory_space<hbm>>) dst(%dma_wait3A_773 : memref<4x128xf32, #tpu.memory_space<hbm>>)
    %dma_wait3A_778 = arith.constant 45000 : i32
    %dma_wait3A_779 = arith.constant 38 : i32
    %dma_wait3A_780 = arith.constant 0 : i32
    %dma_wait3A_781 = arith.constant 0 : i32
    %dma_wait3A_782 = tpu.memref_slice %arg3[%dma_wait3A_779, %dma_wait3A_780, %dma_wait3A_781] : memref<40x4x128xf32, #tpu.memory_space<hbm>> -> memref<1x4x128xf32, #tpu.memory_space<hbm>>
    %dma_wait3A_783 = tpu.memref_squeeze %dma_wait3A_782 : memref<1x4x128xf32, #tpu.memory_space<hbm>> -> memref<4x128xf32, #tpu.memory_space<hbm>>
    %dma_wait3A_784 = arith.constant 0 : i32
    %dma_wait3A_785 = arith.constant 0 : i32
    %dma_wait3A_786 = tpu.memref_slice %arg2[%dma_wait3A_778, %dma_wait3A_784, %dma_wait3A_785] : memref<100000x4x128xf32, #tpu.memory_space<hbm>> -> memref<1x4x128xf32, #tpu.memory_space<hbm>>
    %dma_wait3A_787 = tpu.memref_squeeze %dma_wait3A_786 : memref<1x4x128xf32, #tpu.memory_space<hbm>> -> memref<4x128xf32, #tpu.memory_space<hbm>>
    tpu.wait_dma2 semaphore(%arg4 : memref<!tpu.dma_semaphore, #tpu.memory_space<semaphore_mem>>) src(%dma_wait3A_787 : memref<4x128xf32, #tpu.memory_space<hbm>>) dst(%dma_wait3A_783 : memref<4x128xf32, #tpu.memory_space<hbm>>)
    %dma_wait3A_788 = arith.constant 88001 : i32
    %dma_wait3A_789 = arith.constant 39 : i32
    %dma_wait3A_790 = arith.constant 0 : i32
    %dma_wait3A_791 = arith.constant 0 : i32
    %dma_wait3A_792 = tpu.memref_slice %arg3[%dma_wait3A_789, %dma_wait3A_790, %dma_wait3A_791] : memref<40x4x128xf32, #tpu.memory_space<hbm>> -> memref<1x4x128xf32, #tpu.memory_space<hbm>>
    %dma_wait3A_793 = tpu.memref_squeeze %dma_wait3A_792 : memref<1x4x128xf32, #tpu.memory_space<hbm>> -> memref<4x128xf32, #tpu.memory_space<hbm>>
    %dma_wait3A_794 = arith.constant 0 : i32
    %dma_wait3A_795 = arith.constant 0 : i32
    %dma_wait3A_796 = tpu.memref_slice %arg1[%dma_wait3A_788, %dma_wait3A_794, %dma_wait3A_795] : memref<100000x4x128xf32, #tpu.memory_space<hbm>> -> memref<1x4x128xf32, #tpu.memory_space<hbm>>
    %dma_wait3A_797 = tpu.memref_squeeze %dma_wait3A_796 : memref<1x4x128xf32, #tpu.memory_space<hbm>> -> memref<4x128xf32, #tpu.memory_space<hbm>>
    tpu.wait_dma2 semaphore(%arg4 : memref<!tpu.dma_semaphore, #tpu.memory_space<semaphore_mem>>) src(%dma_wait3A_797 : memref<4x128xf32, #tpu.memory_space<hbm>>) dst(%dma_wait3A_793 : memref<4x128xf32, #tpu.memory_space<hbm>>)
    return
  }
}

</mosaic_0001>

<sc_bundles>
// kernel: kernel.3.cloned.1.call-start
scs
__scs_entry_jumppad:
0x0: {  	(pc) =	sbr.rel $0x88, $3  }
0x1: {  	(tag) =	ssettag $0x0;
	lr =	simm.s32 $0x1  }
0x2: {  	[smem:$0x3F9F] =	sst lr;
	_ =	strace $0xD0000000  }
0x3: {  	_ = 	snop  }
0x4: {  	_ = 	snop  }
0x5: {  	_ = 	snop  }
0x6: {  	_ = 	snop  }
0x7: {  	_ = 	snop  }
__scs_overlays_trampoline_lowered:
0x8: {  	[smem:$0x3FAE] =	sst s0  }
0x9: {  	[smem:$0x3FAF] =	sst s1  }
0xa: {  	[smem:$0x3FB0] =	sst s2  }
0xb: {  	[smem:$0x3FB1] =	sst s3  }
0xc: {  	[smem:$0x3FB2] =	sst s4  }
0xd: {  	[smem:$0x3FB3] =	sst s5  }
0xe: {  	[smem:$0x3FB4] =	sst s6  }
0xf: {  	[smem:$0x3FB5] =	sst s7  }
0x10: {  	[smem:$0x3FB6] =	sst s8  }
0x11: {  	[smem:$0x3FB7] =	sst s9;
	s0 =	simm.s32 @!p0 $0x0  }
0x12: {  	s1 =	sld [smem:$0x3F9D];
	s0 =	simm.s32 @p0 $0x1  }
0x13: {  	[smem:$0x3FB8] =	sst s0;
	s0 =	simm.s32 @!p1 $0x0  }
0x14: {  	s2 =	sld [smem:$0x3F9C];
	s0 =	simm.s32 @p1 $0x1  }
0x15: {  	[smem:$0x3FB9] =	sst s0;
	s0 =	simm.s32 @!p2 $0x0  }
0x16: {  	s3 =	sld [smem:$0x3FDB];
	s0 =	simm.s32 @p2 $0x1  }
0x17: {  	s4 =	simm.s32 $0x1BF5;
	[smem:$0x3FBB] =	sst s0  }
0x18: {  	s0 =	sld [smem:$0x3F9E];
	_ =	swait.ge [sflag:s4], $0x0  }
0x19: {  	s7 =	sld [smem:$0x3F9F]  }
0x1a: {  	s8 =	sadd.s32 $0xFFFFE003, lr  }
0x1b: {  	s9 =	sadd.s32 $0xFFFFFEF7, lr;
	s5 =	simm.s32 $0xFFFFFFFF;
	p2 =	slt.u32 s8, $0xFFFFF086  }
0x1c: {  	p1 =	slt.u32 s9, $0xF7A;
	s5 =	simm.s32 @!p2 $0x0  }
0x1d: {  	s5 =	simm.s32 @p1 $0x1;
	p0 =	seq.s32 s7, s2  }
0x1e: {  	s7 =	smul.u32 @!p0 $0xF7A, s2;
	p2 =	seq.s32 @!p0 s5, $0x0  }
0x1f: {  	s9 =	smul.u32 $0xF7A, s1;
	s8 =	simm.s32 @!p0 $0x1BF5;
	p2 =	por !p2, p0  }
0x20: {  	[sflag:s8] =	ssyncset.s32 @!p0 $0xFFFFF086;
	s6 =	sadd.s32 @!p0 s3, s7;
	s7 =	simm.s32 @!p0 $0x108  }
0x21: {  	s3 =	sadd.s32 s3, s9;
	s6 =	sadd.s32 @!p0 $0x88, s6;
	s7 =	simm.s32 @p2 $0x1082  }
0x22: {  	[simem:s7], [sflag:s8] =	dma.local @!p0 [hbm:s6], $0xF7A  }
0x23: {  	s9 =	sor.u32 $0xD0000000, s2;
	s6 =	simm.s32 $0x108;
	_ =	swait.ge @!p0 [sflag:s8], $0x0  }
0x24: {  	s3 =	sadd.s32 $0x88, s3;
	s6 =	simm.s32 @!p1 $0x1082;
	[sflag:s4] =	ssyncset.s32 $0xFFFFF086  }
0x25: {  	[simem:s6], [sflag:s4] =	dma.local [hbm:s3], $0xF7A  }
0x26: {  	[smem:$0x3F9F] =	sst s1;
	(tag) =	ssettag s2;
	_ =	strace s9  }
0x27: {  	s1 =	sld [smem:$0x3FAF]  }
0x28: {  	s2 =	sld [smem:$0x3FB0]  }
0x29: {  	s4 =	sld [smem:$0x3FB2]  }
0x2a: {  	p0 =	seq.s32 s5, $0x0;
	s5 =	sld [smem:$0x3FB3]  }
0x2b: {  	s6 =	sld [smem:$0x3FB4]  }
0x2c: {  	s7 =	sld [smem:$0x3FB5]  }
0x2d: {  	s3 =	simm.s32 $0x108;
	s8 =	sld [smem:$0x3FB6]  }
0x2e: {  	s3 =	simm.s32 @!p0 $0x1082;
	s9 =	sld [smem:$0x3FB7]  }
0x2f: {  	lr =	sadd.s32 s0, s3;
	s0 =	sld [smem:$0x3FAE]  }
0x30: {  	s3 =	sld [smem:$0x3FB1]  }
0x31: {  	[smem:$0x3FBA] =	sst s10  }
0x32: {  	s10 =	sld [smem:$0x3FB8];
	_ =	sdelay $0x3  }
0x33: {  	p0 =	seq.s32 s10, $0x1;
	s10 =	sld [smem:$0x3FBA];
	_ =	sdelay $0x3  }
0x34: {  	[smem:$0x3FBA] =	sst s10  }
0x35: {  	s10 =	sld [smem:$0x3FB9];
	_ =	sdelay $0x3  }
0x36: {  	p1 =	seq.s32 s10, $0x1;
	s10 =	sld [smem:$0x3FBA];
	_ =	sdelay $0x3  }
0x37: {  	[smem:$0x3FBA] =	sst s10  }
0x38: {  	s10 =	sld [smem:$0x3FBB]  }
0x39: {  	_ = 	snop;
	(pc) =	sbr.ind lr, $3  }
0x3a: {  	_ = 	snop  }
0x3b: {  	_ = 	snop  }
0x3c: {  	p2 =	seq.s32 s10, $0x1;
	s10 =	sld [smem:$0x3FBA]  }
0x3d: {  	_ =	shalt  }
0x3e: {  	_ =	shalt  }
0x3f: {  	_ =	shalt  }
0x40: {  	_ =	shalt  }
0x41: {  	_ =	shalt  }
0x42: {  	_ =	shalt  }
0x43: {  	_ =	shalt  }
0x44: {  	_ =	shalt  }
0x45: {  	_ =	shalt  }
0x46: {  	_ =	shalt  }
0x47: {  	_ =	shalt  }
0x48: {  	_ =	shalt  }
0x49: {  	_ =	shalt  }
0x4a: {  	_ =	shalt  }
0x4b: {  	_ =	shalt  }
0x4c: {  	_ =	shalt  }
0x4d: {  	_ =	shalt  }
0x4e: {  	_ =	shalt  }
0x4f: {  	_ =	shalt  }
0x50: {  	_ =	shalt  }
0x51: {  	_ =	shalt  }
0x52: {  	_ =	shalt  }
0x53: {  	_ =	shalt  }
0x54: {  	_ =	shalt  }
0x55: {  	_ =	shalt  }
0x56: {  	_ =	shalt  }
0x57: {  	_ =	shalt  }
0x58: {  	_ =	shalt  }
0x59: {  	_ =	shalt  }
0x5a: {  	_ =	shalt  }
0x5b: {  	_ =	shalt  }
0x5c: {  	_ =	shalt  }
0x5d: {  	_ =	shalt  }
0x5e: {  	_ =	shalt  }
0x5f: {  	_ =	shalt  }
0x60: {  	_ =	shalt  }
0x61: {  	_ =	shalt  }
0x62: {  	_ =	shalt  }
0x63: {  	_ =	shalt  }
0x64: {  	_ =	shalt  }
0x65: {  	_ =	shalt  }
0x66: {  	_ =	shalt  }
0x67: {  	_ =	shalt  }
0x68: {  	_ =	shalt  }
0x69: {  	_ =	shalt  }
0x6a: {  	_ =	shalt  }
0x6b: {  	_ =	shalt  }
0x6c: {  	_ =	shalt  }
0x6d: {  	_ =	shalt  }
0x6e: {  	_ =	shalt  }
0x6f: {  	_ =	shalt  }
0x70: {  	_ =	shalt  }
0x71: {  	_ =	shalt  }
0x72: {  	_ =	shalt  }
0x73: {  	_ =	shalt  }
0x74: {  	_ =	shalt  }
0x75: {  	_ =	shalt  }
0x76: {  	_ =	shalt  }
0x77: {  	_ =	shalt  }
0x78: {  	_ =	shalt  }
0x79: {  	_ =	shalt  }
0x7a: {  	_ =	shalt  }
0x7b: {  	_ =	shalt  }
0x7c: {  	_ =	shalt  }
0x7d: {  	_ =	shalt  }
0x7e: {  	_ =	shalt  }
0x7f: {  	_ =	shalt  }
0x80: {  	_ =	shalt  }
0x81: {  	_ =	shalt  }
0x82: {  	_ =	shalt  }
0x83: {  	_ =	shalt  }
0x84: {  	_ =	shalt  }
0x85: {  	_ =	shalt  }
0x86: {  	_ =	shalt  }
0x87: {  	_ =	shalt  }
.Lfunc_end0:
.L_simem_size_0:
called_computation_lowered:
.L_overlay_start_0:
0x88: {  	s0 =	sld [smem:$0x3FD9]  }
0x89: {  	s1 =	sld [smem:$0x3FFE];
	_ =	sdelay $0x3  }
0x8a: {  	s0 =	sadd.s32 s1, s0  }
0x8b: {  	s14 =	simm.s32 $0x0;
	[smem:$0x3FC6] =	sst s0  }
0x8c: {  	[smem:$0xF] =	sst s14  }
0x8d: {  	s3 =	sld [smem:$0x3FC9]  }
0x8e: {  	s2 =	sld [smem:$0x3FC8]  }
0x8f: {  	s1 =	sld [smem:$0x3FD0];
	(tm) =	ssettm $0x1  }
0x90: {  	s15 =	sld [smem:$0x3FFB];
	_ =	sdelay $0x3  }
0x91: {  	_ =	strace s15  }
0x92: {  	s0 =	sld [smem:$0x3FFC];
	_ =	sdelay $0x2  }
0x93: {  	s16 =	simm.s32 $0x1B8B  }
0x94: {  	s17 =	simm.s32 $0x1B8E;
	s4 =	sadd.s32 $0x3C0, s2;
	_ =	strace s0  }
0x95: {  	s6 =	sadd.s32 $0x40, s1;
	s5 =	sadd.s32 $0x3300, s3;
	s0 =	sld [smem:$0x3FFD]  }
0x96: {  	s18 =	sadd.s32 $0x80, s1;
	s7 =	sadd.s32 $0x89B00, s2;
	s8 =	sadd.s32 $0xC0, s1  }
0x97: {  	s20 =	sadd.s32 $0x140, s1;
	s10 =	sadd.s32 $0x36B340, s3;
	s21 =	sadd.s32 $0x180, s1  }
0x98: {  	s11 =	sadd.s32 $0x4B4C40, s2;
	s22 =	sadd.s32 $0x1C0, s1;
	s23 =	sadd.s32 $0x200, s1  }
0x99: {  	s12 =	sadd.s32 $0xC0, s2;
	s24 =	sadd.s32 $0x240, s1;
	_ =	strace s0  }
0x9a: {  	s19 =	sadd.s32 $0x100, s1;
	s9 =	sadd.s32 $0x61A780, s3;
	_ =	strace $0x8FFFFFFF  }
0x9b: {  	s13 =	sadd.s32 $0x280, s1;
	s25 =	sadd.s32 $0x2C0, s1;
	_ =	swait.ge [sflag:s16], $0x1  }
0x9c: {  	s14 =	sadd.s32 $0xC0E40, s3;
	s26 =	sadd.s32 $0x300, s1;
	[sflag:s16] =	ssyncset.done $0x0  }
0x9d: {  	s28 =	sadd.s32 $0x340, s1;
	s31 =	sadd.s32 $0x16E800, s3;
	[sflag:s16] =	ssyncadd.s32 $0xFFFFFFFF  }
0x9e: {  	s29 =	sadd.s32 $0x380, s1;
	s15 =	sadd.s32 $0x424C80, s2;
	[smem:$0x3FD2] =	sst s17  }
0x9f: {  	s30 =	sadd.s32 $0x3C0, s1;
	s0 =	simm.s32 $0x9;
	_ =	strace $0x80000046  }
0xa0: {  	[hbm:s1], [sflag:s0] =	dma.local [hbm:s4], $0x40  }
0xa1: {  	[hbm:s6], [sflag:s0] =	dma.local [hbm:s5], $0x40  }
0xa2: {  	s16 =	sadd.s32 $0x440, s1;
	s17 =	sadd.s32 $0x480, s1;
	s6 =	sadd.s32 $0x1C0, s3  }
0xa3: {  	[hbm:s18], [sflag:s0] =	dma.local [hbm:s7], $0x40  }
0xa4: {  	[hbm:s8], [sflag:s0] =	dma.local [hbm:s6], $0x40  }
0xa5: {  	[hbm:s19], [sflag:s0] =	dma.local [hbm:s4], $0x40  }
0xa6: {  	s18 =	sadd.s32 $0x4C0, s1;
	s8 =	sadd.s32 $0x2BF200, s2;
	s19 =	sadd.s32 $0x500, s1  }
0xa7: {  	[hbm:s20], [sflag:s0] =	dma.local [hbm:s10], $0x40  }
0xa8: {  	[hbm:s21], [sflag:s0] =	dma.local [hbm:s11], $0x40  }
0xa9: {  	[hbm:s22], [sflag:s0] =	dma.local [hbm:s5], $0x40  }
0xaa: {  	s20 =	sadd.s32 $0x540, s1;
	s21 =	sadd.s32 $0x40000, s3;
	s22 =	sadd.s32 $0x580, s1  }
0xab: {  	[hbm:s23], [sflag:s0] =	dma.local [hbm:s12], $0x40  }
0xac: {  	[hbm:s24], [sflag:s0] =	dma.local [hbm:s9], $0x40  }
0xad: {  	[hbm:s13], [sflag:s0] =	dma.local [hbm:s8], $0x40  }
0xae: {  	[hbm:s25], [sflag:s0] =	dma.local [hbm:s14], $0x40  }
0xaf: {  	s23 =	sadd.s32 $0x1EADC0, s2;
	s24 =	sadd.s32 $0x5C0, s1;
	s25 =	sadd.s32 $0x600, s1  }
0xb0: {  	[hbm:s26], [sflag:s0] =	dma.local [hbm:s7], $0x40  }
0xb1: {  	[hbm:s28], [sflag:s0] =	dma.local [hbm:s6], $0x40  }
0xb2: {  	[hbm:s29], [sflag:s0] =	dma.local [hbm:s15], $0x40  }
0xb3: {  	s26 =	sadd.s32 $0x640, s1;
	s28 =	sadd.s32 $0x680, s1;
	s15 =	sadd.s32 $0x400, s1  }
0xb4: {  	[hbm:s30], [sflag:s0] =	dma.local [hbm:s31], $0x40  }
0xb5: {  	[hbm:s15], [sflag:s0] =	dma.local [hbm:s4], $0x40  }
0xb6: {  	s29 =	sadd.s32 $0x61A7C0, s2;
	s15 =	sadd.s32 $0x55F040, s3  }
0xb7: {  	[hbm:s16], [sflag:s0] =	dma.local [hbm:s15], $0x40  }
0xb8: {  	s30 =	sadd.s32 $0x6C0, s1;
	s31 =	sadd.s32 $0x40, s3;
	s16 =	sadd.s32 $0x7D00, s2  }
0xb9: {  	[hbm:s17], [sflag:s0] =	dma.local [hbm:s16], $0x40  }
0xba: {  	s2 =	sadd.s32 $0xA80, s2;
	s17 =	sadd.s32 $0x1A8B80, s3;
	s3 =	sadd.s32 $0x400000, s3  }
0xbb: {  	[hbm:s18], [sflag:s0] =	dma.local [hbm:s5], $0x40  }
0xbc: {  	[hbm:s19], [sflag:s0] =	dma.local [hbm:s11], $0x40  }
0xbd: {  	[hbm:s20], [sflag:s0] =	dma.local [hbm:s21], $0x40  }
0xbe: {  	s18 =	sadd.s32 $0x780, s1;
	s19 =	sadd.s32 $0x7C0, s1;
	s20 =	sadd.s32 $0x800, s1  }
0xbf: {  	[hbm:s22], [sflag:s0] =	dma.local [hbm:s23], $0x40  }
0xc0: {  	[hbm:s24], [sflag:s0] =	dma.local [hbm:s17], $0x40  }
0xc1: {  	s21 =	sadd.s32 $0x840, s1;
	s22 =	sadd.s32 $0x880, s1;
	s17 =	sadd.s32 $0x740, s1  }
0xc2: {  	[hbm:s25], [sflag:s0] =	dma.local [hbm:s12], $0x40  }
0xc3: {  	s24 =	sadd.s32 $0x900, s1;
	s12 =	sadd.s32 $0x700, s1;
	s25 =	sadd.s32 $0x940, s1  }
0xc4: {  	[hbm:s26], [sflag:s0] =	dma.local [hbm:s10], $0x40  }
0xc5: {  	[hbm:s28], [sflag:s0] =	dma.local [hbm:s29], $0x40  }
0xc6: {  	[hbm:s30], [sflag:s0] =	dma.local [hbm:s31], $0x40  }
0xc7: {  	[hbm:s12], [sflag:s0] =	dma.local [hbm:s16], $0x40  }
0xc8: {  	[hbm:s17], [sflag:s0] =	dma.local [hbm:s14], $0x40  }
0xc9: {  	[hbm:s18], [sflag:s0] =	dma.local [hbm:s7], $0x40  }
0xca: {  	[hbm:s19], [sflag:s0] =	dma.local [hbm:s3], $0x40  }
0xcb: {  	[hbm:s20], [sflag:s0] =	dma.local [hbm:s2], $0x40  }
0xcc: {  	[hbm:s21], [sflag:s0] =	dma.local [hbm:s6], $0x40  }
0xcd: {  	[hbm:s22], [sflag:s0] =	dma.local [hbm:s23], $0x40  }
0xce: {  	s26 =	sadd.s32 $0x980, s1;
	s23 =	sadd.s32 $0x8C0, s1;
	s1 =	sadd.s32 $0x9C0, s1  }
0xcf: {  	[hbm:s23], [sflag:s0] =	dma.local [hbm:s9], $0x40  }
0xd0: {  	[hbm:s24], [sflag:s0] =	dma.local [hbm:s4], $0x40  }
0xd1: {  	[hbm:s25], [sflag:s0] =	dma.local [hbm:s5], $0x40  }
0xd2: {  	[hbm:s26], [sflag:s0] =	dma.local [hbm:s8], $0x40  }
0xd3: {  	[hbm:s1], [sflag:s0] =	dma.local [hbm:s15], $0x40  }
0xd4: {  	_ =	swait.ge [sflag:s0], $0x40  }
0xd5: {  	[sflag:s0] =	ssyncset.done $0x0  }
0xd6: {  	[sflag:s0] =	ssyncadd.s32 $0xFFFFFFC0;
	_ =	sdelay $0x2  }
0xd7: {  	_ =	swait.ge [sflag:s0], $0x40  }
0xd8: {  	[sflag:s0] =	ssyncset.done $0x0  }
0xd9: {  	[sflag:s0] =	ssyncadd.s32 $0xFFFFFFC0;
	_ =	sdelay $0x2  }
0xda: {  	_ =	swait.ge [sflag:s0], $0x40  }
0xdb: {  	[sflag:s0] =	ssyncset.done $0x0  }
0xdc: {  	[sflag:s0] =	ssyncadd.s32 $0xFFFFFFC0;
	_ =	sdelay $0x2  }
0xdd: {  	_ =	swait.ge [sflag:s0], $0x40  }
0xde: {  	[sflag:s0] =	ssyncset.done $0x0  }
0xdf: {  	[sflag:s0] =	ssyncadd.s32 $0xFFFFFFC0;
	_ =	sdelay $0x2  }
0xe0: {  	_ =	swait.ge [sflag:s0], $0x40  }
0xe1: {  	[sflag:s0] =	ssyncset.done $0x0  }
0xe2: {  	[sflag:s0] =	ssyncadd.s32 $0xFFFFFFC0;
	_ =	sdelay $0x2  }
0xe3: {  	_ =	swait.ge [sflag:s0], $0x40  }
0xe4: {  	[sflag:s0] =	ssyncset.done $0x0  }
0xe5: {  	[sflag:s0] =	ssyncadd.s32 $0xFFFFFFC0;
	_ =	sdelay $0x2  }
0xe6: {  	_ =	swait.ge [sflag:s0], $0x40  }
0xe7: {  	[sflag:s0] =	ssyncset.done $0x0  }
0xe8: {  	[sflag:s0] =	ssyncadd.s32 $0xFFFFFFC0;
	_ =	sdelay $0x2  }
0xe9: {  	_ =	swait.ge [sflag:s0], $0x40  }
0xea: {  	[sflag:s0] =	ssyncset.done $0x0  }
0xeb: {  	[sflag:s0] =	ssyncadd.s32 $0xFFFFFFC0;
	_ =	sdelay $0x2  }
0xec: {  	_ =	swait.ge [sflag:s0], $0x40  }
0xed: {  	[sflag:s0] =	ssyncset.done $0x0  }
0xee: {  	[sflag:s0] =	ssyncadd.s32 $0xFFFFFFC0;
	_ =	sdelay $0x2  }
0xef: {  	_ =	swait.ge [sflag:s0], $0x40  }
0xf0: {  	[sflag:s0] =	ssyncset.done $0x0  }
0xf1: {  	[sflag:s0] =	ssyncadd.s32 $0xFFFFFFC0;
	_ =	sdelay $0x2  }
0xf2: {  	_ =	swait.ge [sflag:s0], $0x40  }
0xf3: {  	[sflag:s0] =	ssyncset.done $0x0  }
0xf4: {  	[sflag:s0] =	ssyncadd.s32 $0xFFFFFFC0;
	_ =	sdelay $0x2  }
0xf5: {  	_ =	swait.ge [sflag:s0], $0x40  }
0xf6: {  	[sflag:s0] =	ssyncset.done $0x0  }
0xf7: {  	[sflag:s0] =	ssyncadd.s32 $0xFFFFFFC0;
	_ =	sdelay $0x2  }
0xf8: {  	_ =	swait.ge [sflag:s0], $0x40  }
0xf9: {  	[sflag:s0] =	ssyncset.done $0x0  }
0xfa: {  	[sflag:s0] =	ssyncadd.s32 $0xFFFFFFC0;
	_ =	sdelay $0x2  }
0xfb: {  	_ =	swait.ge [sflag:s0], $0x40  }
0xfc: {  	[sflag:s0] =	ssyncset.done $0x0  }
0xfd: {  	[sflag:s0] =	ssyncadd.s32 $0xFFFFFFC0;
	_ =	sdelay $0x2  }
0xfe: {  	_ =	swait.ge [sflag:s0], $0x40  }
0xff: {  	[sflag:s0] =	ssyncset.done $0x0  }
0x100: {  	[sflag:s0] =	ssyncadd.s32 $0xFFFFFFC0;
	_ =	sdelay $0x2  }
0x101: {  	_ =	swait.ge [sflag:s0], $0x40  }
0x102: {  	[sflag:s0] =	ssyncset.done $0x0  }
0x103: {  	[sflag:s0] =	ssyncadd.s32 $0xFFFFFFC0;
	_ =	sdelay $0x2  }
0x104: {  	_ =	swait.ge [sflag:s0], $0x40  }
0x105: {  	[sflag:s0] =	ssyncset.done $0x0  }
0x106: {  	[sflag:s0] =	ssyncadd.s32 $0xFFFFFFC0;
	_ =	sdelay $0x2  }
0x107: {  	_ =	swait.ge [sflag:s0], $0x40  }
0x108: {  	[sflag:s0] =	ssyncset.done $0x0  }
0x109: {  	[sflag:s0] =	ssyncadd.s32 $0xFFFFFFC0;
	_ =	sdelay $0x2  }
0x10a: {  	_ =	swait.ge [sflag:s0], $0x40  }
0x10b: {  	[sflag:s0] =	ssyncset.done $0x0  }
0x10c: {  	[sflag:s0] =	ssyncadd.s32 $0xFFFFFFC0;
	_ =	sdelay $0x2  }
0x10d: {  	_ =	swait.ge [sflag:s0], $0x40  }
0x10e: {  	[sflag:s0] =	ssyncset.done $0x0  }
0x10f: {  	[sflag:s0] =	ssyncadd.s32 $0xFFFFFFC0;
	_ =	sdelay $0x2  }
0x110: {  	_ =	swait.ge [sflag:s0], $0x40  }
0x111: {  	[sflag:s0] =	ssyncset.done $0x0  }
0x112: {  	[sflag:s0] =	ssyncadd.s32 $0xFFFFFFC0;
	_ =	sdelay $0x2  }
0x113: {  	_ =	swait.ge [sflag:s0], $0x40  }
0x114: {  	[sflag:s0] =	ssyncset.done $0x0  }
0x115: {  	[sflag:s0] =	ssyncadd.s32 $0xFFFFFFC0;
	_ =	sdelay $0x2  }
0x116: {  	_ =	swait.ge [sflag:s0], $0x40  }
0x117: {  	[sflag:s0] =	ssyncset.done $0x0  }
0x118: {  	[sflag:s0] =	ssyncadd.s32 $0xFFFFFFC0;
	_ =	sdelay $0x2  }
0x119: {  	_ =	swait.ge [sflag:s0], $0x40  }
0x11a: {  	[sflag:s0] =	ssyncset.done $0x0  }
0x11b: {  	[sflag:s0] =	ssyncadd.s32 $0xFFFFFFC0;
	_ =	sdelay $0x2  }
0x11c: {  	_ =	swait.ge [sflag:s0], $0x40  }
0x11d: {  	[sflag:s0] =	ssyncset.done $0x0  }
0x11e: {  	[sflag:s0] =	ssyncadd.s32 $0xFFFFFFC0;
	_ =	sdelay $0x2  }
0x11f: {  	_ =	swait.ge [sflag:s0], $0x40  }
0x120: {  	[sflag:s0] =	ssyncset.done $0x0  }
0x121: {  	[sflag:s0] =	ssyncadd.s32 $0xFFFFFFC0;
	_ =	sdelay $0x2  }
0x122: {  	_ =	swait.ge [sflag:s0], $0x40  }
0x123: {  	[sflag:s0] =	ssyncset.done $0x0  }
0x124: {  	[sflag:s0] =	ssyncadd.s32 $0xFFFFFFC0;
	_ =	sdelay $0x2  }
0x125: {  	_ =	swait.ge [sflag:s0], $0x40  }
0x126: {  	[sflag:s0] =	ssyncset.done $0x0  }
0x127: {  	[sflag:s0] =	ssyncadd.s32 $0xFFFFFFC0;
	_ =	sdelay $0x2  }
0x128: {  	_ =	swait.ge [sflag:s0], $0x40  }
0x129: {  	[sflag:s0] =	ssyncset.done $0x0  }
0x12a: {  	[sflag:s0] =	ssyncadd.s32 $0xFFFFFFC0;
	_ =	sdelay $0x2  }
0x12b: {  	_ =	swait.ge [sflag:s0], $0x40  }
0x12c: {  	[sflag:s0] =	ssyncset.done $0x0  }
0x12d: {  	[sflag:s0] =	ssyncadd.s32 $0xFFFFFFC0;
	_ =	sdelay $0x2  }
0x12e: {  	_ =	swait.ge [sflag:s0], $0x40  }
0x12f: {  	[sflag:s0] =	ssyncset.done $0x0  }
0x130: {  	[sflag:s0] =	ssyncadd.s32 $0xFFFFFFC0;
	_ =	sdelay $0x2  }
0x131: {  	_ =	swait.ge [sflag:s0], $0x40  }
0x132: {  	[sflag:s0] =	ssyncset.done $0x0  }
0x133: {  	[sflag:s0] =	ssyncadd.s32 $0xFFFFFFC0;
	_ =	sdelay $0x2  }
0x134: {  	_ =	swait.ge [sflag:s0], $0x40  }
0x135: {  	[sflag:s0] =	ssyncset.done $0x0  }
0x136: {  	[sflag:s0] =	ssyncadd.s32 $0xFFFFFFC0;
	_ =	sdelay $0x2  }
0x137: {  	_ =	swait.ge [sflag:s0], $0x40  }
0x138: {  	[sflag:s0] =	ssyncset.done $0x0  }
0x139: {  	[sflag:s0] =	ssyncadd.s32 $0xFFFFFFC0;
	_ =	sdelay $0x2  }
0x13a: {  	_ =	swait.ge [sflag:s0], $0x40  }
0x13b: {  	[sflag:s0] =	ssyncset.done $0x0  }
0x13c: {  	[sflag:s0] =	ssyncadd.s32 $0xFFFFFFC0;
	_ =	sdelay $0x2  }
0x13d: {  	_ =	swait.ge [sflag:s0], $0x40  }
0x13e: {  	[sflag:s0] =	ssyncset.done $0x0  }
0x13f: {  	[sflag:s0] =	ssyncadd.s32 $0xFFFFFFC0;
	_ =	sdelay $0x2  }
0x140: {  	_ =	swait.ge [sflag:s0], $0x40  }
0x141: {  	[sflag:s0] =	ssyncset.done $0x0  }
0x142: {  	[sflag:s0] =	ssyncadd.s32 $0xFFFFFFC0;
	_ =	sdelay $0x2  }
0x143: {  	_ =	swait.ge [sflag:s0], $0x40  }
0x144: {  	[sflag:s0] =	ssyncset.done $0x0  }
0x145: {  	[sflag:s0] =	ssyncadd.s32 $0xFFFFFFC0;
	_ =	sdelay $0x2  }
0x146: {  	_ =	swait.ge [sflag:s0], $0x40  }
0x147: {  	[sflag:s0] =	ssyncset.done $0x0  }
0x148: {  	[sflag:s0] =	ssyncadd.s32 $0xFFFFFFC0;
	_ =	sdelay $0x2  }
0x149: {  	_ =	swait.ge [sflag:s0], $0x40  }
0x14a: {  	[sflag:s0] =	ssyncset.done $0x0  }
0x14b: {  	[sflag:s0] =	ssyncadd.s32 $0xFFFFFFC0  }
0x14c: {  	_ =	strace $0x90000046  }
0x14d: {  	_ =	sfence  }
0x14e: {  	s28 =	sld [smem:$0x0];
	_ =	sdelay $0x1  }
0x14f: {  	s29 =	srdreg.scid  }
0x150: {  	s30 =	sshll.u32 s29, $0xD;
	s31 =	sshrl.u32 s29, $0x2  }
0x151: {  	s2 =	sand.u32 $0x4000, s30;
	s1 =	sand.u32 $0x1, s29;
	s0 =	sadd.s32 s31, s28  }
0x152: {  	s1 =	sor.u32 s2, s1;
	s0 =	sshll.u32 s0, $0x11  }
0x153: {  	s0 =	sor.u32 s0, s1  }
0x154: {  	s0 =	sadd.s32 $0x8F2B, s0;
	(pc) =	sbr.abs _section_cstart, $3  }
0x155: {  	[sflag:s0] =	ssyncadd.remote.s32 $0x1  }
0x156: {  	_ =	strace $0x9FFFFFFF  }
0x157: {  	(tm) =	ssettm $0x7FFFFFFF  }

</sc_bundles>
